<compile_context>
chip_gen: v7x
topology: tpu7x:2x2x1
jax: 0.10.2.dev20260603
libtpu: 0.0.44.dev20260713+nightly
codegen_flags: <defaults>
</compile_context>

<pallas_src>
import functools

import jax
import jax.numpy as jnp
from jax import lax
from jax.experimental import pallas as pl
from jax.experimental.pallas import tpu as pltpu
from jax.experimental.pallas import tpu_sc as plsc

_SEG = 2048
_CH = 16
_NBUF = 8


def kernel(patterns, segment_size, lengths, offsets):
    B, T, D = patterns.shape
    S = _SEG
    starts = jnp.clip(
        offsets.astype(jnp.int32)
        + (jnp.asarray(segment_size, jnp.int32) - jnp.int32(S)),
        0,
        T - S,
    )
    flat_in = patterns.reshape(B * T, D)
    mesh = plsc.VectorSubcoreMesh(core_axis_name="c", subcore_axis_name="s")
    NW = 32
    ROWS = (B * S) // NW
    PER_B = S // ROWS
    ITERS = ROWS // _CH
    ROUNDS = ITERS // _NBUF

    @functools.partial(
        pl.kernel,
        out_type=jax.ShapeDtypeStruct((B * S, D), patterns.dtype),
        mesh=mesh,
        scratch_types=[
            pltpu.VMEM((16,), jnp.int32),
            [pltpu.VMEM((_CH, D), jnp.float32) for _ in range(_NBUF)],
            [pltpu.VMEM((_CH,), jnp.int32) for _ in range(_NBUF)],
            [pltpu.SemaphoreType.DMA for _ in range(_NBUF)],
            [pltpu.SemaphoreType.DMA for _ in range(_NBUF)],
        ],
    )
    def run(in_hbm, starts_hbm, out_hbm, st_v, bufs, idxs, gsems, ssems):
        c = lax.axis_index("c")
        s = lax.axis_index("s")
        wid = s * 2 + c
        b = wid // PER_B
        h = wid % PER_B
        pltpu.sync_copy(starts_hbm, st_v)
        stv = st_v[...]
        lane = lax.iota(jnp.int32, 16)
        start_vec = lax.gather(
            stv,
            jnp.full((16, 1), b, jnp.int32),
            lax.GatherDimensionNumbers(
                offset_dims=(), collapsed_slice_dims=(0,), start_index_map=(0,)
            ),
            (1,),
            mode=lax.GatherScatterMode.PROMISE_IN_BOUNDS,
        )
        src0_vec = start_vec + (b * T + h * ROWS) + lane
        dst0 = wid * ROWS

        def fill_idx(i, k):
            for j in range(_CH // 16):
                idxs[k][pl.ds(j * 16, 16)] = src0_vec + (i * _CH + j * 16)

        def gather(k):
            return pltpu.make_async_copy(in_hbm.at[idxs[k]], bufs[k], gsems[k])

        def store(i, k):
            d0 = pl.multiple_of(dst0 + i * _CH, 8)
            return pltpu.make_async_copy(
                bufs[k], out_hbm.at[pl.ds(d0, _CH), :], ssems[k]
            )

        for k in range(_NBUF):
            fill_idx(k, k)
            gather(k).start()

        def body(g, carry):
            for k in range(_NBUF):
                i = g * _NBUF + k
                gather(k).wait()
                store(i, k).start()

                @pl.when(i + _NBUF < ITERS)
                def _():
                    store(i, k).wait()
                    fill_idx(i + _NBUF, k)
                    gather(k).start()

            return carry

        lax.fori_loop(0, ROUNDS, body, 0)
        for k in range(_NBUF):
            store(ITERS - _NBUF + k, k).wait()

    out = run(flat_in, starts)
    return (out.reshape(B, S, D), offsets)

# --- scband reference (transcript-rebuilt; emitter-appended) ---
"""Pipeline reference for scband-segment-8847632630245 (READ-ONLY COPY).

The authoritative reference and input builder live on the scoring server;
editing this copy changes nothing except your own understanding.
"""

import jax, jax.numpy as jnp
import numpy as np

B = 16
T = 4096
D = 512
SEG = 2048


def setup_inputs(seed: int = 0) -> dict:
    key = jax.random.key(seed)
    k1, k2, k3 = jax.random.split(key, 3)
    patterns = jax.random.normal(k1, (B, T, D), dtype=jnp.float32)
    lengths = jax.random.randint(k2, (B,), 0, T, dtype=jnp.int64) if jax.config.jax_enable_x64 else jax.random.randint(k2, (B,), 0, T, dtype=jnp.int32)
    offsets = jax.random.randint(k3, (B,), 0, SEG, dtype=jnp.int32)
    return {"patterns": patterns, "segment_size": SEG, "lengths": lengths, "offsets": offsets}


def reference(patterns, segment_size, lengths, offsets):
    # offsets provided, so the random-offset branch is not taken.
    # segments[b] = patterns[b, offsets[b]:offsets[b]+segment_size]
    seg_zero = (jnp.asarray(segment_size, dtype=jnp.int32) - jnp.int32(SEG))
    idx = offsets[:, None].astype(jnp.int32) + seg_zero + jnp.arange(SEG, dtype=jnp.int32)[None, :]  # [B, S]
    segments = jnp.take_along_axis(patterns, idx[:, :, None], axis=1)  # [B, S, D]
    return (segments, offsets)

if __name__ == "__main__":
    import jax
    _d = setup_inputs()
    print(jax.jit(kernel)(*tuple(_d.values())))

</pallas_src>

<mosaic_0001>
#map = affine_map<(d0, d1) -> (0, 0)>
#map1 = affine_map<(d0, d1) -> (0)>
module attributes {stable_mosaic.version = 14 : i64} {
  func.func @run(%arg0: i32, %arg1: i32, %arg2: memref<65536x512xf32, #tpu.memory_space<hbm>>, %arg3: memref<16xi32, #tpu.memory_space<hbm>>, %arg4: memref<32768x512xf32, #tpu.memory_space<hbm>>, %arg5: memref<16xi32, #tpu.memory_space<vmem>>, %arg6: memref<16x512xf32, #tpu.memory_space<vmem>>, %arg7: memref<16x512xf32, #tpu.memory_space<vmem>>, %arg8: memref<16x512xf32, #tpu.memory_space<vmem>>, %arg9: memref<16x512xf32, #tpu.memory_space<vmem>>, %arg10: memref<16x512xf32, #tpu.memory_space<vmem>>, %arg11: memref<16x512xf32, #tpu.memory_space<vmem>>, %arg12: memref<16x512xf32, #tpu.memory_space<vmem>>, %arg13: memref<16x512xf32, #tpu.memory_space<vmem>>, %arg14: memref<16xi32, #tpu.memory_space<vmem>>, %arg15: memref<16xi32, #tpu.memory_space<vmem>>, %arg16: memref<16xi32, #tpu.memory_space<vmem>>, %arg17: memref<16xi32, #tpu.memory_space<vmem>>, %arg18: memref<16xi32, #tpu.memory_space<vmem>>, %arg19: memref<16xi32, #tpu.memory_space<vmem>>, %arg20: memref<16xi32, #tpu.memory_space<vmem>>, %arg21: memref<16xi32, #tpu.memory_space<vmem>>, %arg22: memref<!tpu.dma_semaphore, #tpu.memory_space<semaphore_mem>>, %arg23: memref<!tpu.dma_semaphore, #tpu.memory_space<semaphore_mem>>, %arg24: memref<!tpu.dma_semaphore, #tpu.memory_space<semaphore_mem>>, %arg25: memref<!tpu.dma_semaphore, #tpu.memory_space<semaphore_mem>>, %arg26: memref<!tpu.dma_semaphore, #tpu.memory_space<semaphore_mem>>, %arg27: memref<!tpu.dma_semaphore, #tpu.memory_space<semaphore_mem>>, %arg28: memref<!tpu.dma_semaphore, #tpu.memory_space<semaphore_mem>>, %arg29: memref<!tpu.dma_semaphore, #tpu.memory_space<semaphore_mem>>, %arg30: memref<!tpu.dma_semaphore, #tpu.memory_space<semaphore_mem>>, %arg31: memref<!tpu.dma_semaphore, #tpu.memory_space<semaphore_mem>>, %arg32: memref<!tpu.dma_semaphore, #tpu.memory_space<semaphore_mem>>, %arg33: memref<!tpu.dma_semaphore, #tpu.memory_space<semaphore_mem>>, %arg34: memref<!tpu.dma_semaphore, #tpu.memory_space<semaphore_mem>>, %arg35: memref<!tpu.dma_semaphore, #tpu.memory_space<semaphore_mem>>, %arg36: memref<!tpu.dma_semaphore, #tpu.memory_space<semaphore_mem>>, %arg37: memref<!tpu.dma_semaphore, #tpu.memory_space<semaphore_mem>>) attributes {dimension_semantics = [#tpu.dimension_semantics<core_parallel>, #tpu.dimension_semantics<subcore_parallel>], iteration_bounds = array<i64: 2, 16>, scalar_prefetch = 0 : i64, scratch_operands = 33 : i64, tpu.core_type = #tpu.core_type<sc_vector_subcore>, window_params = [{transform_indices = #map}, {transform_indices = #map1}, {transform_indices = #map}]} {
    %mul3A = arith.constant 2 : i32
    %mul3A_0 = arith.muli %arg1, %mul3A : i32
    %add3A = arith.addi %mul3A_0, %arg0 : i32
    %jit3A = arith.constant 2 : i32
    %div3A = arith.divsi %add3A, %jit3A : i32
    %sign3A = arith.constant 0 : i32
    %sign3A_1 = arith.cmpi sgt, %add3A, %sign3A : i32
    %sign3A_2 = arith.extui %sign3A_1 : i1 to i32
    %sign3A_3 = arith.constant 0 : i32
    %sign3A_4 = arith.cmpi slt, %add3A, %sign3A_3 : i32
    %sign3A_5 = arith.extui %sign3A_4 : i1 to i32
    %sign3A_6 = arith.subi %sign3A_2, %sign3A_5 : i32
    %sign3A_7 = arith.constant 0 : i32
    %sign3A_8 = arith.cmpi sgt, %jit3A, %sign3A_7 : i32
    %sign3A_9 = arith.extui %sign3A_8 : i1 to i32
    %sign3A_10 = arith.constant 0 : i32
    %sign3A_11 = arith.cmpi slt, %jit3A, %sign3A_10 : i32
    %sign3A_12 = arith.extui %sign3A_11 : i1 to i32
    %sign3A_13 = arith.subi %sign3A_9, %sign3A_12 : i32
    %ne3A = arith.cmpi ne, %sign3A_6, %sign3A_13 : i32
    %rem3A = arith.remsi %add3A, %jit3A : i32
    %ne3A_14 = arith.constant 0 : i32
    %ne3A_15 = arith.cmpi ne, %rem3A, %ne3A_14 : i32
    %and3A = arith.andi %ne3A, %ne3A_15 : i1
    %sub3A = arith.constant 1 : i32
    %sub3A_16 = arith.subi %div3A, %sub3A : i32
    %select_n3A = arith.select %and3A, %sub3A_16, %div3A : i32
    %jit3A_17 = arith.constant 2 : i32
    %eq3A = arith.constant 0 : i32
    %eq3A_18 = arith.cmpi eq, %jit3A_17, %eq3A : i32
    %jit3A_19 = arith.constant 1 : i32
    %select_n3A_20 = arith.select %eq3A_18, %jit3A_19, %jit3A_17 : i32
    %rem3A_21 = arith.remsi %add3A, %select_n3A_20 : i32
    %ne3A_22 = arith.constant 0 : i32
    %ne3A_23 = arith.cmpi ne, %rem3A_21, %ne3A_22 : i32
    %lt3A = arith.constant 0 : i32
    %lt3A_24 = arith.cmpi slt, %rem3A_21, %lt3A : i32
    %lt3A_25 = arith.constant 0 : i32
    %lt3A_26 = arith.cmpi slt, %select_n3A_20, %lt3A_25 : i32
    %ne3A_27 = arith.xori %lt3A_24, %lt3A_26 : i1
    %and3A_28 = arith.andi %ne3A_27, %ne3A_23 : i1
    %add3A_29 = arith.addi %rem3A_21, %select_n3A_20 : i32
    %select_n3A_30 = arith.select %and3A_28, %add3A_29, %rem3A_21 : i32
    "tpu.region"() ({
      %run_scoped3A = tpu.sem_alloc : memref<!tpu.dma_semaphore, #tpu.memory_space<semaphore_mem>>
      tpu.enqueue_dma source(%arg3 : memref<16xi32, #tpu.memory_space<hbm>>) target(%arg5 : memref<16xi32, #tpu.memory_space<vmem>>) target_semaphore(%run_scoped3A : memref<!tpu.dma_semaphore, #tpu.memory_space<semaphore_mem>>)
      tpu.wait_dma2 semaphore(%run_scoped3A : memref<!tpu.dma_semaphore, #tpu.memory_space<semaphore_mem>>) src(%arg3 : memref<16xi32, #tpu.memory_space<hbm>>) dst(%arg5 : memref<16xi32, #tpu.memory_space<vmem>>)
      tpu.yield
    }) : () -> ()
    %get3A = arith.constant 0 : index
    %get3A_31 = tpu.vector_load %arg5[%get3A] {strides = array<i32>} : memref<16xi32, #tpu.memory_space<vmem>>, vector<16xi32>,
    %get3A_32 = vector.shape_cast %get3A_31 : vector<16xi32> to vector<16xi32>
    %iota3A = tpu.iota {dimensions = array<i32: 0>} : vector<16xi32>
    %broadcast_in_dim3A = vector.broadcast %select_n3A : i32 to vector<16x1xi32>
    %gather3A = vector.shape_cast %broadcast_in_dim3A : vector<16x1xi32> to vector<16xi32>
    %gather3A_33 = tpu.dynamic_gather %get3A_32[%gather3A] in [0] : vector<16xi32>, vector<16xi32> -> vector<16xi32>
    %mul3A_34 = arith.constant 4096 : i32
    %mul3A_35 = arith.muli %select_n3A, %mul3A_34 : i32
    %mul3A_36 = arith.constant 1024 : i32
    %mul3A_37 = arith.muli %select_n3A_30, %mul3A_36 : i32
    %add3A_38 = arith.addi %mul3A_35, %mul3A_37 : i32
    %add3A_39 = vector.broadcast %add3A_38 : i32 to vector<16xi32>
    %add3A_40 = arith.addi %gather3A_33, %add3A_39 : vector<16xi32>
    %add3A_41 = arith.addi %add3A_40, %iota3A : vector<16xi32>
    %mul3A_42 = arith.constant 1024 : i32
    %mul3A_43 = arith.muli %add3A, %mul3A_42 : i32
    %add3A_44 = arith.constant 0 : i32
    %add3A_45 = vector.broadcast %add3A_44 : i32 to vector<16xi32>
    %add3A_46 = arith.addi %add3A_41, %add3A_45 : vector<16xi32>
    %swap3A = arith.constant 0 : index
    %swap3A_47 = tpu.vector_load %arg14[%swap3A] {strides = array<i32>} : memref<16xi32, #tpu.memory_space<vmem>>, vector<16xi32>,
    %swap3A_48 = vector.shape_cast %swap3A_47 : vector<16xi32> to vector<16xi32>
    %swap3A_49 = vector.shape_cast %add3A_46 : vector<16xi32> to vector<16xi32>
    tpu.vector_store %arg14[%swap3A], %swap3A_49 {strides = array<i32>} : memref<16xi32, #tpu.memory_space<vmem>>, vector<16xi32>,
    %dma_start3A = arith.constant 0 : i32
    %dma_start3A_50 = arith.constant 0 : i32
    %dma_start3A_51 = tpu.memref_slice %arg2[%dma_start3A, %dma_start3A_50] : memref<65536x512xf32, #tpu.memory_space<hbm>> -> memref<65536x512xf32, #tpu.memory_space<hbm>>
    tpu.enqueue_indirect_dma source(%dma_start3A_51 : memref<65536x512xf32, #tpu.memory_space<hbm>>) target(%arg6 : memref<16x512xf32, #tpu.memory_space<vmem>>) offsets(%arg14 : memref<16xi32, #tpu.memory_space<vmem>>) semaphore(%arg22 : memref<!tpu.dma_semaphore, #tpu.memory_space<semaphore_mem>>)
    %add3A_52 = arith.constant 16 : i32
    %add3A_53 = vector.broadcast %add3A_52 : i32 to vector<16xi32>
    %add3A_54 = arith.addi %add3A_41, %add3A_53 : vector<16xi32>
    %swap3A_55 = arith.constant 0 : index
    %swap3A_56 = tpu.vector_load %arg15[%swap3A_55] {strides = array<i32>} : memref<16xi32, #tpu.memory_space<vmem>>, vector<16xi32>,
    %swap3A_57 = vector.shape_cast %swap3A_56 : vector<16xi32> to vector<16xi32>
    %swap3A_58 = vector.shape_cast %add3A_54 : vector<16xi32> to vector<16xi32>
    tpu.vector_store %arg15[%swap3A_55], %swap3A_58 {strides = array<i32>} : memref<16xi32, #tpu.memory_space<vmem>>, vector<16xi32>,
    %dma_start3A_59 = arith.constant 0 : i32
    %dma_start3A_60 = arith.constant 0 : i32
    %dma_start3A_61 = tpu.memref_slice %arg2[%dma_start3A_59, %dma_start3A_60] : memref<65536x512xf32, #tpu.memory_space<hbm>> -> memref<65536x512xf32, #tpu.memory_space<hbm>>
    tpu.enqueue_indirect_dma source(%dma_start3A_61 : memref<65536x512xf32, #tpu.memory_space<hbm>>) target(%arg7 : memref<16x512xf32, #tpu.memory_space<vmem>>) offsets(%arg15 : memref<16xi32, #tpu.memory_space<vmem>>) semaphore(%arg23 : memref<!tpu.dma_semaphore, #tpu.memory_space<semaphore_mem>>)
    %add3A_62 = arith.constant 32 : i32
    %add3A_63 = vector.broadcast %add3A_62 : i32 to vector<16xi32>
    %add3A_64 = arith.addi %add3A_41, %add3A_63 : vector<16xi32>
    %swap3A_65 = arith.constant 0 : index
    %swap3A_66 = tpu.vector_load %arg16[%swap3A_65] {strides = array<i32>} : memref<16xi32, #tpu.memory_space<vmem>>, vector<16xi32>,
    %swap3A_67 = vector.shape_cast %swap3A_66 : vector<16xi32> to vector<16xi32>
    %swap3A_68 = vector.shape_cast %add3A_64 : vector<16xi32> to vector<16xi32>
    tpu.vector_store %arg16[%swap3A_65], %swap3A_68 {strides = array<i32>} : memref<16xi32, #tpu.memory_space<vmem>>, vector<16xi32>,
    %dma_start3A_69 = arith.constant 0 : i32
    %dma_start3A_70 = arith.constant 0 : i32
    %dma_start3A_71 = tpu.memref_slice %arg2[%dma_start3A_69, %dma_start3A_70] : memref<65536x512xf32, #tpu.memory_space<hbm>> -> memref<65536x512xf32, #tpu.memory_space<hbm>>
    tpu.enqueue_indirect_dma source(%dma_start3A_71 : memref<65536x512xf32, #tpu.memory_space<hbm>>) target(%arg8 : memref<16x512xf32, #tpu.memory_space<vmem>>) offsets(%arg16 : memref<16xi32, #tpu.memory_space<vmem>>) semaphore(%arg24 : memref<!tpu.dma_semaphore, #tpu.memory_space<semaphore_mem>>)
    %add3A_72 = arith.constant 48 : i32
    %add3A_73 = vector.broadcast %add3A_72 : i32 to vector<16xi32>
    %add3A_74 = arith.addi %add3A_41, %add3A_73 : vector<16xi32>
    %swap3A_75 = arith.constant 0 : index
    %swap3A_76 = tpu.vector_load %arg17[%swap3A_75] {strides = array<i32>} : memref<16xi32, #tpu.memory_space<vmem>>, vector<16xi32>,
    %swap3A_77 = vector.shape_cast %swap3A_76 : vector<16xi32> to vector<16xi32>
    %swap3A_78 = vector.shape_cast %add3A_74 : vector<16xi32> to vector<16xi32>
    tpu.vector_store %arg17[%swap3A_75], %swap3A_78 {strides = array<i32>} : memref<16xi32, #tpu.memory_space<vmem>>, vector<16xi32>,
    %dma_start3A_79 = arith.constant 0 : i32
    %dma_start3A_80 = arith.constant 0 : i32
    %dma_start3A_81 = tpu.memref_slice %arg2[%dma_start3A_79, %dma_start3A_80] : memref<65536x512xf32, #tpu.memory_space<hbm>> -> memref<65536x512xf32, #tpu.memory_space<hbm>>
    tpu.enqueue_indirect_dma source(%dma_start3A_81 : memref<65536x512xf32, #tpu.memory_space<hbm>>) target(%arg9 : memref<16x512xf32, #tpu.memory_space<vmem>>) offsets(%arg17 : memref<16xi32, #tpu.memory_space<vmem>>) semaphore(%arg25 : memref<!tpu.dma_semaphore, #tpu.memory_space<semaphore_mem>>)
    %add3A_82 = arith.constant 64 : i32
    %add3A_83 = vector.broadcast %add3A_82 : i32 to vector<16xi32>
    %add3A_84 = arith.addi %add3A_41, %add3A_83 : vector<16xi32>
    %swap3A_85 = arith.constant 0 : index
    %swap3A_86 = tpu.vector_load %arg18[%swap3A_85] {strides = array<i32>} : memref<16xi32, #tpu.memory_space<vmem>>, vector<16xi32>,
    %swap3A_87 = vector.shape_cast %swap3A_86 : vector<16xi32> to vector<16xi32>
    %swap3A_88 = vector.shape_cast %add3A_84 : vector<16xi32> to vector<16xi32>
    tpu.vector_store %arg18[%swap3A_85], %swap3A_88 {strides = array<i32>} : memref<16xi32, #tpu.memory_space<vmem>>, vector<16xi32>,
    %dma_start3A_89 = arith.constant 0 : i32
    %dma_start3A_90 = arith.constant 0 : i32
    %dma_start3A_91 = tpu.memref_slice %arg2[%dma_start3A_89, %dma_start3A_90] : memref<65536x512xf32, #tpu.memory_space<hbm>> -> memref<65536x512xf32, #tpu.memory_space<hbm>>
    tpu.enqueue_indirect_dma source(%dma_start3A_91 : memref<65536x512xf32, #tpu.memory_space<hbm>>) target(%arg10 : memref<16x512xf32, #tpu.memory_space<vmem>>) offsets(%arg18 : memref<16xi32, #tpu.memory_space<vmem>>) semaphore(%arg26 : memref<!tpu.dma_semaphore, #tpu.memory_space<semaphore_mem>>)
    %add3A_92 = arith.constant 80 : i32
    %add3A_93 = vector.broadcast %add3A_92 : i32 to vector<16xi32>
    %add3A_94 = arith.addi %add3A_41, %add3A_93 : vector<16xi32>
    %swap3A_95 = arith.constant 0 : index
    %swap3A_96 = tpu.vector_load %arg19[%swap3A_95] {strides = array<i32>} : memref<16xi32, #tpu.memory_space<vmem>>, vector<16xi32>,
    %swap3A_97 = vector.shape_cast %swap3A_96 : vector<16xi32> to vector<16xi32>
    %swap3A_98 = vector.shape_cast %add3A_94 : vector<16xi32> to vector<16xi32>
    tpu.vector_store %arg19[%swap3A_95], %swap3A_98 {strides = array<i32>} : memref<16xi32, #tpu.memory_space<vmem>>, vector<16xi32>,
    %dma_start3A_99 = arith.constant 0 : i32
    %dma_start3A_100 = arith.constant 0 : i32
    %dma_start3A_101 = tpu.memref_slice %arg2[%dma_start3A_99, %dma_start3A_100] : memref<65536x512xf32, #tpu.memory_space<hbm>> -> memref<65536x512xf32, #tpu.memory_space<hbm>>
    tpu.enqueue_indirect_dma source(%dma_start3A_101 : memref<65536x512xf32, #tpu.memory_space<hbm>>) target(%arg11 : memref<16x512xf32, #tpu.memory_space<vmem>>) offsets(%arg19 : memref<16xi32, #tpu.memory_space<vmem>>) semaphore(%arg27 : memref<!tpu.dma_semaphore, #tpu.memory_space<semaphore_mem>>)
    %add3A_102 = arith.constant 96 : i32
    %add3A_103 = vector.broadcast %add3A_102 : i32 to vector<16xi32>
    %add3A_104 = arith.addi %add3A_41, %add3A_103 : vector<16xi32>
    %swap3A_105 = arith.constant 0 : index
    %swap3A_106 = tpu.vector_load %arg20[%swap3A_105] {strides = array<i32>} : memref<16xi32, #tpu.memory_space<vmem>>, vector<16xi32>,
    %swap3A_107 = vector.shape_cast %swap3A_106 : vector<16xi32> to vector<16xi32>
    %swap3A_108 = vector.shape_cast %add3A_104 : vector<16xi32> to vector<16xi32>
    tpu.vector_store %arg20[%swap3A_105], %swap3A_108 {strides = array<i32>} : memref<16xi32, #tpu.memory_space<vmem>>, vector<16xi32>,
    %dma_start3A_109 = arith.constant 0 : i32
    %dma_start3A_110 = arith.constant 0 : i32
    %dma_start3A_111 = tpu.memref_slice %arg2[%dma_start3A_109, %dma_start3A_110] : memref<65536x512xf32, #tpu.memory_space<hbm>> -> memref<65536x512xf32, #tpu.memory_space<hbm>>
    tpu.enqueue_indirect_dma source(%dma_start3A_111 : memref<65536x512xf32, #tpu.memory_space<hbm>>) target(%arg12 : memref<16x512xf32, #tpu.memory_space<vmem>>) offsets(%arg20 : memref<16xi32, #tpu.memory_space<vmem>>) semaphore(%arg28 : memref<!tpu.dma_semaphore, #tpu.memory_space<semaphore_mem>>)
    %add3A_112 = arith.constant 112 : i32
    %add3A_113 = vector.broadcast %add3A_112 : i32 to vector<16xi32>
    %add3A_114 = arith.addi %add3A_41, %add3A_113 : vector<16xi32>
    %swap3A_115 = arith.constant 0 : index
    %swap3A_116 = tpu.vector_load %arg21[%swap3A_115] {strides = array<i32>} : memref<16xi32, #tpu.memory_space<vmem>>, vector<16xi32>,
    %swap3A_117 = vector.shape_cast %swap3A_116 : vector<16xi32> to vector<16xi32>
    %swap3A_118 = vector.shape_cast %add3A_114 : vector<16xi32> to vector<16xi32>
    tpu.vector_store %arg21[%swap3A_115], %swap3A_118 {strides = array<i32>} : memref<16xi32, #tpu.memory_space<vmem>>, vector<16xi32>,
    %dma_start3A_119 = arith.constant 0 : i32
    %dma_start3A_120 = arith.constant 0 : i32
    %dma_start3A_121 = tpu.memref_slice %arg2[%dma_start3A_119, %dma_start3A_120] : memref<65536x512xf32, #tpu.memory_space<hbm>> -> memref<65536x512xf32, #tpu.memory_space<hbm>>
    tpu.enqueue_indirect_dma source(%dma_start3A_121 : memref<65536x512xf32, #tpu.memory_space<hbm>>) target(%arg13 : memref<16x512xf32, #tpu.memory_space<vmem>>) offsets(%arg21 : memref<16xi32, #tpu.memory_space<vmem>>) semaphore(%arg29 : memref<!tpu.dma_semaphore, #tpu.memory_space<semaphore_mem>>)
    %scan3A = arith.constant 0 : i32
    %scan3A_122 = arith.constant 0 : i32
    %scan3A_123 = arith.constant 8 : i32
    %scan3A_124 = arith.addi %scan3A_122, %scan3A_123 : i32
    %scan3A_125 = arith.constant 1 : i32
    scf.for %scan3A_181 = %scan3A_122 to %scan3A_124 step %scan3A_125  : i32 {
      %mul3A_182 = arith.constant 8 : i32
      %mul3A_183 = arith.muli %scan3A_181, %mul3A_182 : i32
      %add3A_184 = arith.constant 0 : i32
      %add3A_185 = arith.addi %mul3A_183, %add3A_184 : i32
      %dma_wait3A_186 = arith.constant 0 : i32
      %dma_wait3A_187 = arith.constant 0 : i32
      %dma_wait3A_188 = tpu.memref_slice %arg2[%dma_wait3A_186, %dma_wait3A_187] : memref<65536x512xf32, #tpu.memory_space<hbm>> -> memref<65536x512xf32, #tpu.memory_space<hbm>>
      tpu.wait_indirect_dma semaphore(%arg22 : memref<!tpu.dma_semaphore, #tpu.memory_space<semaphore_mem>>) src(%dma_wait3A_188 : memref<65536x512xf32, #tpu.memory_space<hbm>>) dst(%arg6 : memref<16x512xf32, #tpu.memory_space<vmem>>)
      %mul3A_189 = arith.constant 16 : i32
      %mul3A_190 = arith.muli %add3A_185, %mul3A_189 : i32
      %add3A_191 = arith.addi %mul3A_43, %mul3A_190 : i32
      %multiple_of3A_192 = tpu.assume_multiple %add3A_191, 8 : i32
      %dma_start3A_193 = arith.constant 0 : i32
      %dma_start3A_194 = tpu.memref_slice %arg4[%multiple_of3A_192, %dma_start3A_193] : memref<32768x512xf32, #tpu.memory_space<hbm>> -> memref<16x512xf32, #tpu.memory_space<hbm>>
      %dma_start3A_195 = arith.constant 0 : i32
      %dma_start3A_196 = tpu.memref_slice %arg4[%multiple_of3A_192, %dma_start3A_195] : memref<32768x512xf32, #tpu.memory_space<hbm>> -> memref<16x512xf32, #tpu.memory_space<hbm>>
      tpu.enqueue_dma source(%arg6 : memref<16x512xf32, #tpu.memory_space<vmem>>) target(%dma_start3A_196 : memref<16x512xf32, #tpu.memory_space<hbm>>) target_semaphore(%arg30 : memref<!tpu.dma_semaphore, #tpu.memory_space<semaphore_mem>>)
      %add3A_197 = arith.constant 8 : i32
      %add3A_198 = arith.addi %add3A_185, %add3A_197 : i32
      %lt3A_199 = arith.constant 64 : i32
      %lt3A_200 = arith.cmpi slt, %add3A_198, %lt3A_199 : i32
      %convert_element_type3A = arith.extui %lt3A_200 : i1 to i32
      %cond3A = arith.constant 0 : i32
      %cond3A_201 = arith.cmpi ne, %convert_element_type3A, %cond3A : i32
      scf.if %cond3A_201 {
        %mul3A_356 = arith.constant 16 : i32
        %mul3A_357 = arith.muli %add3A_185, %mul3A_356 : i32
        %add3A_358 = arith.addi %mul3A_43, %mul3A_357 : i32
        %multiple_of3A_359 = tpu.assume_multiple %add3A_358, 8 : i32
        %dma_wait3A_360 = arith.constant 0 : i32
        %dma_wait3A_361 = tpu.memref_slice %arg4[%multiple_of3A_359, %dma_wait3A_360] : memref<32768x512xf32, #tpu.memory_space<hbm>> -> memref<16x512xf32, #tpu.memory_space<hbm>>
        %dma_wait3A_362 = arith.constant 0 : i32
        %dma_wait3A_363 = tpu.memref_slice %arg4[%multiple_of3A_359, %dma_wait3A_362] : memref<32768x512xf32, #tpu.memory_space<hbm>> -> memref<16x512xf32, #tpu.memory_space<hbm>>
        tpu.wait_dma2 semaphore(%arg30 : memref<!tpu.dma_semaphore, #tpu.memory_space<semaphore_mem>>) src(%arg6 : memref<16x512xf32, #tpu.memory_space<vmem>>) dst(%dma_wait3A_363 : memref<16x512xf32, #tpu.memory_space<hbm>>)
        %add3A_364 = arith.constant 8 : i32
        %add3A_365 = arith.addi %add3A_185, %add3A_364 : i32
        %mul3A_366 = arith.constant 16 : i32
        %mul3A_367 = arith.muli %add3A_365, %mul3A_366 : i32
        %add3A_368 = arith.constant 0 : i32
        %add3A_369 = arith.addi %mul3A_367, %add3A_368 : i32
        %add3A_370 = vector.broadcast %add3A_369 : i32 to vector<16xi32>
        %add3A_371 = arith.addi %add3A_41, %add3A_370 : vector<16xi32>
        %swap3A_372 = arith.constant 0 : index
        %swap3A_373 = tpu.vector_load %arg14[%swap3A_372] {strides = array<i32>} : memref<16xi32, #tpu.memory_space<vmem>>, vector<16xi32>,
        %swap3A_374 = vector.shape_cast %swap3A_373 : vector<16xi32> to vector<16xi32>
        %swap3A_375 = vector.shape_cast %add3A_371 : vector<16xi32> to vector<16xi32>
        tpu.vector_store %arg14[%swap3A_372], %swap3A_375 {strides = array<i32>} : memref<16xi32, #tpu.memory_space<vmem>>, vector<16xi32>,
        %dma_start3A_376 = arith.constant 0 : i32
        %dma_start3A_377 = arith.constant 0 : i32
        %dma_start3A_378 = tpu.memref_slice %arg2[%dma_start3A_376, %dma_start3A_377] : memref<65536x512xf32, #tpu.memory_space<hbm>> -> memref<65536x512xf32, #tpu.memory_space<hbm>>
        tpu.enqueue_indirect_dma source(%dma_start3A_378 : memref<65536x512xf32, #tpu.memory_space<hbm>>) target(%arg6 : memref<16x512xf32, #tpu.memory_space<vmem>>) offsets(%arg14 : memref<16xi32, #tpu.memory_space<vmem>>) semaphore(%arg22 : memref<!tpu.dma_semaphore, #tpu.memory_space<semaphore_mem>>)
      } else {
      }
      %mul3A_202 = arith.constant 8 : i32
      %mul3A_203 = arith.muli %scan3A_181, %mul3A_202 : i32
      %add3A_204 = arith.constant 1 : i32
      %add3A_205 = arith.addi %mul3A_203, %add3A_204 : i32
      %dma_wait3A_206 = arith.constant 0 : i32
      %dma_wait3A_207 = arith.constant 0 : i32
      %dma_wait3A_208 = tpu.memref_slice %arg2[%dma_wait3A_206, %dma_wait3A_207] : memref<65536x512xf32, #tpu.memory_space<hbm>> -> memref<65536x512xf32, #tpu.memory_space<hbm>>
      tpu.wait_indirect_dma semaphore(%arg23 : memref<!tpu.dma_semaphore, #tpu.memory_space<semaphore_mem>>) src(%dma_wait3A_208 : memref<65536x512xf32, #tpu.memory_space<hbm>>) dst(%arg7 : memref<16x512xf32, #tpu.memory_space<vmem>>)
      %mul3A_209 = arith.constant 16 : i32
      %mul3A_210 = arith.muli %add3A_205, %mul3A_209 : i32
      %add3A_211 = arith.addi %mul3A_43, %mul3A_210 : i32
      %multiple_of3A_212 = tpu.assume_multiple %add3A_211, 8 : i32
      %dma_start3A_213 = arith.constant 0 : i32
      %dma_start3A_214 = tpu.memref_slice %arg4[%multiple_of3A_212, %dma_start3A_213] : memref<32768x512xf32, #tpu.memory_space<hbm>> -> memref<16x512xf32, #tpu.memory_space<hbm>>
      %dma_start3A_215 = arith.constant 0 : i32
      %dma_start3A_216 = tpu.memref_slice %arg4[%multiple_of3A_212, %dma_start3A_215] : memref<32768x512xf32, #tpu.memory_space<hbm>> -> memref<16x512xf32, #tpu.memory_space<hbm>>
      tpu.enqueue_dma source(%arg7 : memref<16x512xf32, #tpu.memory_space<vmem>>) target(%dma_start3A_216 : memref<16x512xf32, #tpu.memory_space<hbm>>) target_semaphore(%arg31 : memref<!tpu.dma_semaphore, #tpu.memory_space<semaphore_mem>>)
      %add3A_217 = arith.constant 8 : i32
      %add3A_218 = arith.addi %add3A_205, %add3A_217 : i32
      %lt3A_219 = arith.constant 64 : i32
      %lt3A_220 = arith.cmpi slt, %add3A_218, %lt3A_219 : i32
      %convert_element_type3A_221 = arith.extui %lt3A_220 : i1 to i32
      %cond3A_222 = arith.constant 0 : i32
      %cond3A_223 = arith.cmpi ne, %convert_element_type3A_221, %cond3A_222 : i32
      scf.if %cond3A_223 {
        %mul3A_356 = arith.constant 16 : i32
        %mul3A_357 = arith.muli %add3A_205, %mul3A_356 : i32
        %add3A_358 = arith.addi %mul3A_43, %mul3A_357 : i32
        %multiple_of3A_359 = tpu.assume_multiple %add3A_358, 8 : i32
        %dma_wait3A_360 = arith.constant 0 : i32
        %dma_wait3A_361 = tpu.memref_slice %arg4[%multiple_of3A_359, %dma_wait3A_360] : memref<32768x512xf32, #tpu.memory_space<hbm>> -> memref<16x512xf32, #tpu.memory_space<hbm>>
        %dma_wait3A_362 = arith.constant 0 : i32
        %dma_wait3A_363 = tpu.memref_slice %arg4[%multiple_of3A_359, %dma_wait3A_362] : memref<32768x512xf32, #tpu.memory_space<hbm>> -> memref<16x512xf32, #tpu.memory_space<hbm>>
        tpu.wait_dma2 semaphore(%arg31 : memref<!tpu.dma_semaphore, #tpu.memory_space<semaphore_mem>>) src(%arg7 : memref<16x512xf32, #tpu.memory_space<vmem>>) dst(%dma_wait3A_363 : memref<16x512xf32, #tpu.memory_space<hbm>>)
        %add3A_364 = arith.constant 8 : i32
        %add3A_365 = arith.addi %add3A_205, %add3A_364 : i32
        %mul3A_366 = arith.constant 16 : i32
        %mul3A_367 = arith.muli %add3A_365, %mul3A_366 : i32
        %add3A_368 = arith.constant 0 : i32
        %add3A_369 = arith.addi %mul3A_367, %add3A_368 : i32
        %add3A_370 = vector.broadcast %add3A_369 : i32 to vector<16xi32>
        %add3A_371 = arith.addi %add3A_41, %add3A_370 : vector<16xi32>
        %swap3A_372 = arith.constant 0 : index
        %swap3A_373 = tpu.vector_load %arg15[%swap3A_372] {strides = array<i32>} : memref<16xi32, #tpu.memory_space<vmem>>, vector<16xi32>,
        %swap3A_374 = vector.shape_cast %swap3A_373 : vector<16xi32> to vector<16xi32>
        %swap3A_375 = vector.shape_cast %add3A_371 : vector<16xi32> to vector<16xi32>
        tpu.vector_store %arg15[%swap3A_372], %swap3A_375 {strides = array<i32>} : memref<16xi32, #tpu.memory_space<vmem>>, vector<16xi32>,
        %dma_start3A_376 = arith.constant 0 : i32
        %dma_start3A_377 = arith.constant 0 : i32
        %dma_start3A_378 = tpu.memref_slice %arg2[%dma_start3A_376, %dma_start3A_377] : memref<65536x512xf32, #tpu.memory_space<hbm>> -> memref<65536x512xf32, #tpu.memory_space<hbm>>
        tpu.enqueue_indirect_dma source(%dma_start3A_378 : memref<65536x512xf32, #tpu.memory_space<hbm>>) target(%arg7 : memref<16x512xf32, #tpu.memory_space<vmem>>) offsets(%arg15 : memref<16xi32, #tpu.memory_space<vmem>>) semaphore(%arg23 : memref<!tpu.dma_semaphore, #tpu.memory_space<semaphore_mem>>)
      } else {
      }
      %mul3A_224 = arith.constant 8 : i32
      %mul3A_225 = arith.muli %scan3A_181, %mul3A_224 : i32
      %add3A_226 = arith.constant 2 : i32
      %add3A_227 = arith.addi %mul3A_225, %add3A_226 : i32
      %dma_wait3A_228 = arith.constant 0 : i32
      %dma_wait3A_229 = arith.constant 0 : i32
      %dma_wait3A_230 = tpu.memref_slice %arg2[%dma_wait3A_228, %dma_wait3A_229] : memref<65536x512xf32, #tpu.memory_space<hbm>> -> memref<65536x512xf32, #tpu.memory_space<hbm>>
      tpu.wait_indirect_dma semaphore(%arg24 : memref<!tpu.dma_semaphore, #tpu.memory_space<semaphore_mem>>) src(%dma_wait3A_230 : memref<65536x512xf32, #tpu.memory_space<hbm>>) dst(%arg8 : memref<16x512xf32, #tpu.memory_space<vmem>>)
      %mul3A_231 = arith.constant 16 : i32
      %mul3A_232 = arith.muli %add3A_227, %mul3A_231 : i32
      %add3A_233 = arith.addi %mul3A_43, %mul3A_232 : i32
      %multiple_of3A_234 = tpu.assume_multiple %add3A_233, 8 : i32
      %dma_start3A_235 = arith.constant 0 : i32
      %dma_start3A_236 = tpu.memref_slice %arg4[%multiple_of3A_234, %dma_start3A_235] : memref<32768x512xf32, #tpu.memory_space<hbm>> -> memref<16x512xf32, #tpu.memory_space<hbm>>
      %dma_start3A_237 = arith.constant 0 : i32
      %dma_start3A_238 = tpu.memref_slice %arg4[%multiple_of3A_234, %dma_start3A_237] : memref<32768x512xf32, #tpu.memory_space<hbm>> -> memref<16x512xf32, #tpu.memory_space<hbm>>
      tpu.enqueue_dma source(%arg8 : memref<16x512xf32, #tpu.memory_space<vmem>>) target(%dma_start3A_238 : memref<16x512xf32, #tpu.memory_space<hbm>>) target_semaphore(%arg32 : memref<!tpu.dma_semaphore, #tpu.memory_space<semaphore_mem>>)
      %add3A_239 = arith.constant 8 : i32
      %add3A_240 = arith.addi %add3A_227, %add3A_239 : i32
      %lt3A_241 = arith.constant 64 : i32
      %lt3A_242 = arith.cmpi slt, %add3A_240, %lt3A_241 : i32
      %convert_element_type3A_243 = arith.extui %lt3A_242 : i1 to i32
      %cond3A_244 = arith.constant 0 : i32
      %cond3A_245 = arith.cmpi ne, %convert_element_type3A_243, %cond3A_244 : i32
      scf.if %cond3A_245 {
        %mul3A_356 = arith.constant 16 : i32
        %mul3A_357 = arith.muli %add3A_227, %mul3A_356 : i32
        %add3A_358 = arith.addi %mul3A_43, %mul3A_357 : i32
        %multiple_of3A_359 = tpu.assume_multiple %add3A_358, 8 : i32
        %dma_wait3A_360 = arith.constant 0 : i32
        %dma_wait3A_361 = tpu.memref_slice %arg4[%multiple_of3A_359, %dma_wait3A_360] : memref<32768x512xf32, #tpu.memory_space<hbm>> -> memref<16x512xf32, #tpu.memory_space<hbm>>
        %dma_wait3A_362 = arith.constant 0 : i32
        %dma_wait3A_363 = tpu.memref_slice %arg4[%multiple_of3A_359, %dma_wait3A_362] : memref<32768x512xf32, #tpu.memory_space<hbm>> -> memref<16x512xf32, #tpu.memory_space<hbm>>
        tpu.wait_dma2 semaphore(%arg32 : memref<!tpu.dma_semaphore, #tpu.memory_space<semaphore_mem>>) src(%arg8 : memref<16x512xf32, #tpu.memory_space<vmem>>) dst(%dma_wait3A_363 : memref<16x512xf32, #tpu.memory_space<hbm>>)
        %add3A_364 = arith.constant 8 : i32
        %add3A_365 = arith.addi %add3A_227, %add3A_364 : i32
        %mul3A_366 = arith.constant 16 : i32
        %mul3A_367 = arith.muli %add3A_365, %mul3A_366 : i32
        %add3A_368 = arith.constant 0 : i32
        %add3A_369 = arith.addi %mul3A_367, %add3A_368 : i32
        %add3A_370 = vector.broadcast %add3A_369 : i32 to vector<16xi32>
        %add3A_371 = arith.addi %add3A_41, %add3A_370 : vector<16xi32>
        %swap3A_372 = arith.constant 0 : index
        %swap3A_373 = tpu.vector_load %arg16[%swap3A_372] {strides = array<i32>} : memref<16xi32, #tpu.memory_space<vmem>>, vector<16xi32>,
        %swap3A_374 = vector.shape_cast %swap3A_373 : vector<16xi32> to vector<16xi32>
        %swap3A_375 = vector.shape_cast %add3A_371 : vector<16xi32> to vector<16xi32>
        tpu.vector_store %arg16[%swap3A_372], %swap3A_375 {strides = array<i32>} : memref<16xi32, #tpu.memory_space<vmem>>, vector<16xi32>,
        %dma_start3A_376 = arith.constant 0 : i32
        %dma_start3A_377 = arith.constant 0 : i32
        %dma_start3A_378 = tpu.memref_slice %arg2[%dma_start3A_376, %dma_start3A_377] : memref<65536x512xf32, #tpu.memory_space<hbm>> -> memref<65536x512xf32, #tpu.memory_space<hbm>>
        tpu.enqueue_indirect_dma source(%dma_start3A_378 : memref<65536x512xf32, #tpu.memory_space<hbm>>) target(%arg8 : memref<16x512xf32, #tpu.memory_space<vmem>>) offsets(%arg16 : memref<16xi32, #tpu.memory_space<vmem>>) semaphore(%arg24 : memref<!tpu.dma_semaphore, #tpu.memory_space<semaphore_mem>>)
      } else {
      }
      %mul3A_246 = arith.constant 8 : i32
      %mul3A_247 = arith.muli %scan3A_181, %mul3A_246 : i32
      %add3A_248 = arith.constant 3 : i32
      %add3A_249 = arith.addi %mul3A_247, %add3A_248 : i32
      %dma_wait3A_250 = arith.constant 0 : i32
      %dma_wait3A_251 = arith.constant 0 : i32
      %dma_wait3A_252 = tpu.memref_slice %arg2[%dma_wait3A_250, %dma_wait3A_251] : memref<65536x512xf32, #tpu.memory_space<hbm>> -> memref<65536x512xf32, #tpu.memory_space<hbm>>
      tpu.wait_indirect_dma semaphore(%arg25 : memref<!tpu.dma_semaphore, #tpu.memory_space<semaphore_mem>>) src(%dma_wait3A_252 : memref<65536x512xf32, #tpu.memory_space<hbm>>) dst(%arg9 : memref<16x512xf32, #tpu.memory_space<vmem>>)
      %mul3A_253 = arith.constant 16 : i32
      %mul3A_254 = arith.muli %add3A_249, %mul3A_253 : i32
      %add3A_255 = arith.addi %mul3A_43, %mul3A_254 : i32
      %multiple_of3A_256 = tpu.assume_multiple %add3A_255, 8 : i32
      %dma_start3A_257 = arith.constant 0 : i32
      %dma_start3A_258 = tpu.memref_slice %arg4[%multiple_of3A_256, %dma_start3A_257] : memref<32768x512xf32, #tpu.memory_space<hbm>> -> memref<16x512xf32, #tpu.memory_space<hbm>>
      %dma_start3A_259 = arith.constant 0 : i32
      %dma_start3A_260 = tpu.memref_slice %arg4[%multiple_of3A_256, %dma_start3A_259] : memref<32768x512xf32, #tpu.memory_space<hbm>> -> memref<16x512xf32, #tpu.memory_space<hbm>>
      tpu.enqueue_dma source(%arg9 : memref<16x512xf32, #tpu.memory_space<vmem>>) target(%dma_start3A_260 : memref<16x512xf32, #tpu.memory_space<hbm>>) target_semaphore(%arg33 : memref<!tpu.dma_semaphore, #tpu.memory_space<semaphore_mem>>)
      %add3A_261 = arith.constant 8 : i32
      %add3A_262 = arith.addi %add3A_249, %add3A_261 : i32
      %lt3A_263 = arith.constant 64 : i32
      %lt3A_264 = arith.cmpi slt, %add3A_262, %lt3A_263 : i32
      %convert_element_type3A_265 = arith.extui %lt3A_264 : i1 to i32
      %cond3A_266 = arith.constant 0 : i32
      %cond3A_267 = arith.cmpi ne, %convert_element_type3A_265, %cond3A_266 : i32
      scf.if %cond3A_267 {
        %mul3A_356 = arith.constant 16 : i32
        %mul3A_357 = arith.muli %add3A_249, %mul3A_356 : i32
        %add3A_358 = arith.addi %mul3A_43, %mul3A_357 : i32
        %multiple_of3A_359 = tpu.assume_multiple %add3A_358, 8 : i32
        %dma_wait3A_360 = arith.constant 0 : i32
        %dma_wait3A_361 = tpu.memref_slice %arg4[%multiple_of3A_359, %dma_wait3A_360] : memref<32768x512xf32, #tpu.memory_space<hbm>> -> memref<16x512xf32, #tpu.memory_space<hbm>>
        %dma_wait3A_362 = arith.constant 0 : i32
        %dma_wait3A_363 = tpu.memref_slice %arg4[%multiple_of3A_359, %dma_wait3A_362] : memref<32768x512xf32, #tpu.memory_space<hbm>> -> memref<16x512xf32, #tpu.memory_space<hbm>>
        tpu.wait_dma2 semaphore(%arg33 : memref<!tpu.dma_semaphore, #tpu.memory_space<semaphore_mem>>) src(%arg9 : memref<16x512xf32, #tpu.memory_space<vmem>>) dst(%dma_wait3A_363 : memref<16x512xf32, #tpu.memory_space<hbm>>)
        %add3A_364 = arith.constant 8 : i32
        %add3A_365 = arith.addi %add3A_249, %add3A_364 : i32
        %mul3A_366 = arith.constant 16 : i32
        %mul3A_367 = arith.muli %add3A_365, %mul3A_366 : i32
        %add3A_368 = arith.constant 0 : i32
        %add3A_369 = arith.addi %mul3A_367, %add3A_368 : i32
        %add3A_370 = vector.broadcast %add3A_369 : i32 to vector<16xi32>
        %add3A_371 = arith.addi %add3A_41, %add3A_370 : vector<16xi32>
        %swap3A_372 = arith.constant 0 : index
        %swap3A_373 = tpu.vector_load %arg17[%swap3A_372] {strides = array<i32>} : memref<16xi32, #tpu.memory_space<vmem>>, vector<16xi32>,
        %swap3A_374 = vector.shape_cast %swap3A_373 : vector<16xi32> to vector<16xi32>
        %swap3A_375 = vector.shape_cast %add3A_371 : vector<16xi32> to vector<16xi32>
        tpu.vector_store %arg17[%swap3A_372], %swap3A_375 {strides = array<i32>} : memref<16xi32, #tpu.memory_space<vmem>>, vector<16xi32>,
        %dma_start3A_376 = arith.constant 0 : i32
        %dma_start3A_377 = arith.constant 0 : i32
        %dma_start3A_378 = tpu.memref_slice %arg2[%dma_start3A_376, %dma_start3A_377] : memref<65536x512xf32, #tpu.memory_space<hbm>> -> memref<65536x512xf32, #tpu.memory_space<hbm>>
        tpu.enqueue_indirect_dma source(%dma_start3A_378 : memref<65536x512xf32, #tpu.memory_space<hbm>>) target(%arg9 : memref<16x512xf32, #tpu.memory_space<vmem>>) offsets(%arg17 : memref<16xi32, #tpu.memory_space<vmem>>) semaphore(%arg25 : memref<!tpu.dma_semaphore, #tpu.memory_space<semaphore_mem>>)
      } else {
      }
      %mul3A_268 = arith.constant 8 : i32
      %mul3A_269 = arith.muli %scan3A_181, %mul3A_268 : i32
      %add3A_270 = arith.constant 4 : i32
      %add3A_271 = arith.addi %mul3A_269, %add3A_270 : i32
      %dma_wait3A_272 = arith.constant 0 : i32
      %dma_wait3A_273 = arith.constant 0 : i32
      %dma_wait3A_274 = tpu.memref_slice %arg2[%dma_wait3A_272, %dma_wait3A_273] : memref<65536x512xf32, #tpu.memory_space<hbm>> -> memref<65536x512xf32, #tpu.memory_space<hbm>>
      tpu.wait_indirect_dma semaphore(%arg26 : memref<!tpu.dma_semaphore, #tpu.memory_space<semaphore_mem>>) src(%dma_wait3A_274 : memref<65536x512xf32, #tpu.memory_space<hbm>>) dst(%arg10 : memref<16x512xf32, #tpu.memory_space<vmem>>)
      %mul3A_275 = arith.constant 16 : i32
      %mul3A_276 = arith.muli %add3A_271, %mul3A_275 : i32
      %add3A_277 = arith.addi %mul3A_43, %mul3A_276 : i32
      %multiple_of3A_278 = tpu.assume_multiple %add3A_277, 8 : i32
      %dma_start3A_279 = arith.constant 0 : i32
      %dma_start3A_280 = tpu.memref_slice %arg4[%multiple_of3A_278, %dma_start3A_279] : memref<32768x512xf32, #tpu.memory_space<hbm>> -> memref<16x512xf32, #tpu.memory_space<hbm>>
      %dma_start3A_281 = arith.constant 0 : i32
      %dma_start3A_282 = tpu.memref_slice %arg4[%multiple_of3A_278, %dma_start3A_281] : memref<32768x512xf32, #tpu.memory_space<hbm>> -> memref<16x512xf32, #tpu.memory_space<hbm>>
      tpu.enqueue_dma source(%arg10 : memref<16x512xf32, #tpu.memory_space<vmem>>) target(%dma_start3A_282 : memref<16x512xf32, #tpu.memory_space<hbm>>) target_semaphore(%arg34 : memref<!tpu.dma_semaphore, #tpu.memory_space<semaphore_mem>>)
      %add3A_283 = arith.constant 8 : i32
      %add3A_284 = arith.addi %add3A_271, %add3A_283 : i32
      %lt3A_285 = arith.constant 64 : i32
      %lt3A_286 = arith.cmpi slt, %add3A_284, %lt3A_285 : i32
      %convert_element_type3A_287 = arith.extui %lt3A_286 : i1 to i32
      %cond3A_288 = arith.constant 0 : i32
      %cond3A_289 = arith.cmpi ne, %convert_element_type3A_287, %cond3A_288 : i32
      scf.if %cond3A_289 {
        %mul3A_356 = arith.constant 16 : i32
        %mul3A_357 = arith.muli %add3A_271, %mul3A_356 : i32
        %add3A_358 = arith.addi %mul3A_43, %mul3A_357 : i32
        %multiple_of3A_359 = tpu.assume_multiple %add3A_358, 8 : i32
        %dma_wait3A_360 = arith.constant 0 : i32
        %dma_wait3A_361 = tpu.memref_slice %arg4[%multiple_of3A_359, %dma_wait3A_360] : memref<32768x512xf32, #tpu.memory_space<hbm>> -> memref<16x512xf32, #tpu.memory_space<hbm>>
        %dma_wait3A_362 = arith.constant 0 : i32
        %dma_wait3A_363 = tpu.memref_slice %arg4[%multiple_of3A_359, %dma_wait3A_362] : memref<32768x512xf32, #tpu.memory_space<hbm>> -> memref<16x512xf32, #tpu.memory_space<hbm>>
        tpu.wait_dma2 semaphore(%arg34 : memref<!tpu.dma_semaphore, #tpu.memory_space<semaphore_mem>>) src(%arg10 : memref<16x512xf32, #tpu.memory_space<vmem>>) dst(%dma_wait3A_363 : memref<16x512xf32, #tpu.memory_space<hbm>>)
        %add3A_364 = arith.constant 8 : i32
        %add3A_365 = arith.addi %add3A_271, %add3A_364 : i32
        %mul3A_366 = arith.constant 16 : i32
        %mul3A_367 = arith.muli %add3A_365, %mul3A_366 : i32
        %add3A_368 = arith.constant 0 : i32
        %add3A_369 = arith.addi %mul3A_367, %add3A_368 : i32
        %add3A_370 = vector.broadcast %add3A_369 : i32 to vector<16xi32>
        %add3A_371 = arith.addi %add3A_41, %add3A_370 : vector<16xi32>
        %swap3A_372 = arith.constant 0 : index
        %swap3A_373 = tpu.vector_load %arg18[%swap3A_372] {strides = array<i32>} : memref<16xi32, #tpu.memory_space<vmem>>, vector<16xi32>,
        %swap3A_374 = vector.shape_cast %swap3A_373 : vector<16xi32> to vector<16xi32>
        %swap3A_375 = vector.shape_cast %add3A_371 : vector<16xi32> to vector<16xi32>
        tpu.vector_store %arg18[%swap3A_372], %swap3A_375 {strides = array<i32>} : memref<16xi32, #tpu.memory_space<vmem>>, vector<16xi32>,
        %dma_start3A_376 = arith.constant 0 : i32
        %dma_start3A_377 = arith.constant 0 : i32
        %dma_start3A_378 = tpu.memref_slice %arg2[%dma_start3A_376, %dma_start3A_377] : memref<65536x512xf32, #tpu.memory_space<hbm>> -> memref<65536x512xf32, #tpu.memory_space<hbm>>
        tpu.enqueue_indirect_dma source(%dma_start3A_378 : memref<65536x512xf32, #tpu.memory_space<hbm>>) target(%arg10 : memref<16x512xf32, #tpu.memory_space<vmem>>) offsets(%arg18 : memref<16xi32, #tpu.memory_space<vmem>>) semaphore(%arg26 : memref<!tpu.dma_semaphore, #tpu.memory_space<semaphore_mem>>)
      } else {
      }
      %mul3A_290 = arith.constant 8 : i32
      %mul3A_291 = arith.muli %scan3A_181, %mul3A_290 : i32
      %add3A_292 = arith.constant 5 : i32
      %add3A_293 = arith.addi %mul3A_291, %add3A_292 : i32
      %dma_wait3A_294 = arith.constant 0 : i32
      %dma_wait3A_295 = arith.constant 0 : i32
      %dma_wait3A_296 = tpu.memref_slice %arg2[%dma_wait3A_294, %dma_wait3A_295] : memref<65536x512xf32, #tpu.memory_space<hbm>> -> memref<65536x512xf32, #tpu.memory_space<hbm>>
      tpu.wait_indirect_dma semaphore(%arg27 : memref<!tpu.dma_semaphore, #tpu.memory_space<semaphore_mem>>) src(%dma_wait3A_296 : memref<65536x512xf32, #tpu.memory_space<hbm>>) dst(%arg11 : memref<16x512xf32, #tpu.memory_space<vmem>>)
      %mul3A_297 = arith.constant 16 : i32
      %mul3A_298 = arith.muli %add3A_293, %mul3A_297 : i32
      %add3A_299 = arith.addi %mul3A_43, %mul3A_298 : i32
      %multiple_of3A_300 = tpu.assume_multiple %add3A_299, 8 : i32
      %dma_start3A_301 = arith.constant 0 : i32
      %dma_start3A_302 = tpu.memref_slice %arg4[%multiple_of3A_300, %dma_start3A_301] : memref<32768x512xf32, #tpu.memory_space<hbm>> -> memref<16x512xf32, #tpu.memory_space<hbm>>
      %dma_start3A_303 = arith.constant 0 : i32
      %dma_start3A_304 = tpu.memref_slice %arg4[%multiple_of3A_300, %dma_start3A_303] : memref<32768x512xf32, #tpu.memory_space<hbm>> -> memref<16x512xf32, #tpu.memory_space<hbm>>
      tpu.enqueue_dma source(%arg11 : memref<16x512xf32, #tpu.memory_space<vmem>>) target(%dma_start3A_304 : memref<16x512xf32, #tpu.memory_space<hbm>>) target_semaphore(%arg35 : memref<!tpu.dma_semaphore, #tpu.memory_space<semaphore_mem>>)
      %add3A_305 = arith.constant 8 : i32
      %add3A_306 = arith.addi %add3A_293, %add3A_305 : i32
      %lt3A_307 = arith.constant 64 : i32
      %lt3A_308 = arith.cmpi slt, %add3A_306, %lt3A_307 : i32
      %convert_element_type3A_309 = arith.extui %lt3A_308 : i1 to i32
      %cond3A_310 = arith.constant 0 : i32
      %cond3A_311 = arith.cmpi ne, %convert_element_type3A_309, %cond3A_310 : i32
      scf.if %cond3A_311 {
        %mul3A_356 = arith.constant 16 : i32
        %mul3A_357 = arith.muli %add3A_293, %mul3A_356 : i32
        %add3A_358 = arith.addi %mul3A_43, %mul3A_357 : i32
        %multiple_of3A_359 = tpu.assume_multiple %add3A_358, 8 : i32
        %dma_wait3A_360 = arith.constant 0 : i32
        %dma_wait3A_361 = tpu.memref_slice %arg4[%multiple_of3A_359, %dma_wait3A_360] : memref<32768x512xf32, #tpu.memory_space<hbm>> -> memref<16x512xf32, #tpu.memory_space<hbm>>
        %dma_wait3A_362 = arith.constant 0 : i32
        %dma_wait3A_363 = tpu.memref_slice %arg4[%multiple_of3A_359, %dma_wait3A_362] : memref<32768x512xf32, #tpu.memory_space<hbm>> -> memref<16x512xf32, #tpu.memory_space<hbm>>
        tpu.wait_dma2 semaphore(%arg35 : memref<!tpu.dma_semaphore, #tpu.memory_space<semaphore_mem>>) src(%arg11 : memref<16x512xf32, #tpu.memory_space<vmem>>) dst(%dma_wait3A_363 : memref<16x512xf32, #tpu.memory_space<hbm>>)
        %add3A_364 = arith.constant 8 : i32
        %add3A_365 = arith.addi %add3A_293, %add3A_364 : i32
        %mul3A_366 = arith.constant 16 : i32
        %mul3A_367 = arith.muli %add3A_365, %mul3A_366 : i32
        %add3A_368 = arith.constant 0 : i32
        %add3A_369 = arith.addi %mul3A_367, %add3A_368 : i32
        %add3A_370 = vector.broadcast %add3A_369 : i32 to vector<16xi32>
        %add3A_371 = arith.addi %add3A_41, %add3A_370 : vector<16xi32>
        %swap3A_372 = arith.constant 0 : index
        %swap3A_373 = tpu.vector_load %arg19[%swap3A_372] {strides = array<i32>} : memref<16xi32, #tpu.memory_space<vmem>>, vector<16xi32>,
        %swap3A_374 = vector.shape_cast %swap3A_373 : vector<16xi32> to vector<16xi32>
        %swap3A_375 = vector.shape_cast %add3A_371 : vector<16xi32> to vector<16xi32>
        tpu.vector_store %arg19[%swap3A_372], %swap3A_375 {strides = array<i32>} : memref<16xi32, #tpu.memory_space<vmem>>, vector<16xi32>,
        %dma_start3A_376 = arith.constant 0 : i32
        %dma_start3A_377 = arith.constant 0 : i32
        %dma_start3A_378 = tpu.memref_slice %arg2[%dma_start3A_376, %dma_start3A_377] : memref<65536x512xf32, #tpu.memory_space<hbm>> -> memref<65536x512xf32, #tpu.memory_space<hbm>>
        tpu.enqueue_indirect_dma source(%dma_start3A_378 : memref<65536x512xf32, #tpu.memory_space<hbm>>) target(%arg11 : memref<16x512xf32, #tpu.memory_space<vmem>>) offsets(%arg19 : memref<16xi32, #tpu.memory_space<vmem>>) semaphore(%arg27 : memref<!tpu.dma_semaphore, #tpu.memory_space<semaphore_mem>>)
      } else {
      }
      %mul3A_312 = arith.constant 8 : i32
      %mul3A_313 = arith.muli %scan3A_181, %mul3A_312 : i32
      %add3A_314 = arith.constant 6 : i32
      %add3A_315 = arith.addi %mul3A_313, %add3A_314 : i32
      %dma_wait3A_316 = arith.constant 0 : i32
      %dma_wait3A_317 = arith.constant 0 : i32
      %dma_wait3A_318 = tpu.memref_slice %arg2[%dma_wait3A_316, %dma_wait3A_317] : memref<65536x512xf32, #tpu.memory_space<hbm>> -> memref<65536x512xf32, #tpu.memory_space<hbm>>
      tpu.wait_indirect_dma semaphore(%arg28 : memref<!tpu.dma_semaphore, #tpu.memory_space<semaphore_mem>>) src(%dma_wait3A_318 : memref<65536x512xf32, #tpu.memory_space<hbm>>) dst(%arg12 : memref<16x512xf32, #tpu.memory_space<vmem>>)
      %mul3A_319 = arith.constant 16 : i32
      %mul3A_320 = arith.muli %add3A_315, %mul3A_319 : i32
      %add3A_321 = arith.addi %mul3A_43, %mul3A_320 : i32
      %multiple_of3A_322 = tpu.assume_multiple %add3A_321, 8 : i32
      %dma_start3A_323 = arith.constant 0 : i32
      %dma_start3A_324 = tpu.memref_slice %arg4[%multiple_of3A_322, %dma_start3A_323] : memref<32768x512xf32, #tpu.memory_space<hbm>> -> memref<16x512xf32, #tpu.memory_space<hbm>>
      %dma_start3A_325 = arith.constant 0 : i32
      %dma_start3A_326 = tpu.memref_slice %arg4[%multiple_of3A_322, %dma_start3A_325] : memref<32768x512xf32, #tpu.memory_space<hbm>> -> memref<16x512xf32, #tpu.memory_space<hbm>>
      tpu.enqueue_dma source(%arg12 : memref<16x512xf32, #tpu.memory_space<vmem>>) target(%dma_start3A_326 : memref<16x512xf32, #tpu.memory_space<hbm>>) target_semaphore(%arg36 : memref<!tpu.dma_semaphore, #tpu.memory_space<semaphore_mem>>)
      %add3A_327 = arith.constant 8 : i32
      %add3A_328 = arith.addi %add3A_315, %add3A_327 : i32
      %lt3A_329 = arith.constant 64 : i32
      %lt3A_330 = arith.cmpi slt, %add3A_328, %lt3A_329 : i32
      %convert_element_type3A_331 = arith.extui %lt3A_330 : i1 to i32
      %cond3A_332 = arith.constant 0 : i32
      %cond3A_333 = arith.cmpi ne, %convert_element_type3A_331, %cond3A_332 : i32
      scf.if %cond3A_333 {
        %mul3A_356 = arith.constant 16 : i32
        %mul3A_357 = arith.muli %add3A_315, %mul3A_356 : i32
        %add3A_358 = arith.addi %mul3A_43, %mul3A_357 : i32
        %multiple_of3A_359 = tpu.assume_multiple %add3A_358, 8 : i32
        %dma_wait3A_360 = arith.constant 0 : i32
        %dma_wait3A_361 = tpu.memref_slice %arg4[%multiple_of3A_359, %dma_wait3A_360] : memref<32768x512xf32, #tpu.memory_space<hbm>> -> memref<16x512xf32, #tpu.memory_space<hbm>>
        %dma_wait3A_362 = arith.constant 0 : i32
        %dma_wait3A_363 = tpu.memref_slice %arg4[%multiple_of3A_359, %dma_wait3A_362] : memref<32768x512xf32, #tpu.memory_space<hbm>> -> memref<16x512xf32, #tpu.memory_space<hbm>>
        tpu.wait_dma2 semaphore(%arg36 : memref<!tpu.dma_semaphore, #tpu.memory_space<semaphore_mem>>) src(%arg12 : memref<16x512xf32, #tpu.memory_space<vmem>>) dst(%dma_wait3A_363 : memref<16x512xf32, #tpu.memory_space<hbm>>)
        %add3A_364 = arith.constant 8 : i32
        %add3A_365 = arith.addi %add3A_315, %add3A_364 : i32
        %mul3A_366 = arith.constant 16 : i32
        %mul3A_367 = arith.muli %add3A_365, %mul3A_366 : i32
        %add3A_368 = arith.constant 0 : i32
        %add3A_369 = arith.addi %mul3A_367, %add3A_368 : i32
        %add3A_370 = vector.broadcast %add3A_369 : i32 to vector<16xi32>
        %add3A_371 = arith.addi %add3A_41, %add3A_370 : vector<16xi32>
        %swap3A_372 = arith.constant 0 : index
        %swap3A_373 = tpu.vector_load %arg20[%swap3A_372] {strides = array<i32>} : memref<16xi32, #tpu.memory_space<vmem>>, vector<16xi32>,
        %swap3A_374 = vector.shape_cast %swap3A_373 : vector<16xi32> to vector<16xi32>
        %swap3A_375 = vector.shape_cast %add3A_371 : vector<16xi32> to vector<16xi32>
        tpu.vector_store %arg20[%swap3A_372], %swap3A_375 {strides = array<i32>} : memref<16xi32, #tpu.memory_space<vmem>>, vector<16xi32>,
        %dma_start3A_376 = arith.constant 0 : i32
        %dma_start3A_377 = arith.constant 0 : i32
        %dma_start3A_378 = tpu.memref_slice %arg2[%dma_start3A_376, %dma_start3A_377] : memref<65536x512xf32, #tpu.memory_space<hbm>> -> memref<65536x512xf32, #tpu.memory_space<hbm>>
        tpu.enqueue_indirect_dma source(%dma_start3A_378 : memref<65536x512xf32, #tpu.memory_space<hbm>>) target(%arg12 : memref<16x512xf32, #tpu.memory_space<vmem>>) offsets(%arg20 : memref<16xi32, #tpu.memory_space<vmem>>) semaphore(%arg28 : memref<!tpu.dma_semaphore, #tpu.memory_space<semaphore_mem>>)
      } else {
      }
      %mul3A_334 = arith.constant 8 : i32
      %mul3A_335 = arith.muli %scan3A_181, %mul3A_334 : i32
      %add3A_336 = arith.constant 7 : i32
      %add3A_337 = arith.addi %mul3A_335, %add3A_336 : i32
      %dma_wait3A_338 = arith.constant 0 : i32
      %dma_wait3A_339 = arith.constant 0 : i32
      %dma_wait3A_340 = tpu.memref_slice %arg2[%dma_wait3A_338, %dma_wait3A_339] : memref<65536x512xf32, #tpu.memory_space<hbm>> -> memref<65536x512xf32, #tpu.memory_space<hbm>>
      tpu.wait_indirect_dma semaphore(%arg29 : memref<!tpu.dma_semaphore, #tpu.memory_space<semaphore_mem>>) src(%dma_wait3A_340 : memref<65536x512xf32, #tpu.memory_space<hbm>>) dst(%arg13 : memref<16x512xf32, #tpu.memory_space<vmem>>)
      %mul3A_341 = arith.constant 16 : i32
      %mul3A_342 = arith.muli %add3A_337, %mul3A_341 : i32
      %add3A_343 = arith.addi %mul3A_43, %mul3A_342 : i32
      %multiple_of3A_344 = tpu.assume_multiple %add3A_343, 8 : i32
      %dma_start3A_345 = arith.constant 0 : i32
      %dma_start3A_346 = tpu.memref_slice %arg4[%multiple_of3A_344, %dma_start3A_345] : memref<32768x512xf32, #tpu.memory_space<hbm>> -> memref<16x512xf32, #tpu.memory_space<hbm>>
      %dma_start3A_347 = arith.constant 0 : i32
      %dma_start3A_348 = tpu.memref_slice %arg4[%multiple_of3A_344, %dma_start3A_347] : memref<32768x512xf32, #tpu.memory_space<hbm>> -> memref<16x512xf32, #tpu.memory_space<hbm>>
      tpu.enqueue_dma source(%arg13 : memref<16x512xf32, #tpu.memory_space<vmem>>) target(%dma_start3A_348 : memref<16x512xf32, #tpu.memory_space<hbm>>) target_semaphore(%arg37 : memref<!tpu.dma_semaphore, #tpu.memory_space<semaphore_mem>>)
      %add3A_349 = arith.constant 8 : i32
      %add3A_350 = arith.addi %add3A_337, %add3A_349 : i32
      %lt3A_351 = arith.constant 64 : i32
      %lt3A_352 = arith.cmpi slt, %add3A_350, %lt3A_351 : i32
      %convert_element_type3A_353 = arith.extui %lt3A_352 : i1 to i32
      %cond3A_354 = arith.constant 0 : i32
      %cond3A_355 = arith.cmpi ne, %convert_element_type3A_353, %cond3A_354 : i32
      scf.if %cond3A_355 {
        %mul3A_356 = arith.constant 16 : i32
        %mul3A_357 = arith.muli %add3A_337, %mul3A_356 : i32
        %add3A_358 = arith.addi %mul3A_43, %mul3A_357 : i32
        %multiple_of3A_359 = tpu.assume_multiple %add3A_358, 8 : i32
        %dma_wait3A_360 = arith.constant 0 : i32
        %dma_wait3A_361 = tpu.memref_slice %arg4[%multiple_of3A_359, %dma_wait3A_360] : memref<32768x512xf32, #tpu.memory_space<hbm>> -> memref<16x512xf32, #tpu.memory_space<hbm>>
        %dma_wait3A_362 = arith.constant 0 : i32
        %dma_wait3A_363 = tpu.memref_slice %arg4[%multiple_of3A_359, %dma_wait3A_362] : memref<32768x512xf32, #tpu.memory_space<hbm>> -> memref<16x512xf32, #tpu.memory_space<hbm>>
        tpu.wait_dma2 semaphore(%arg37 : memref<!tpu.dma_semaphore, #tpu.memory_space<semaphore_mem>>) src(%arg13 : memref<16x512xf32, #tpu.memory_space<vmem>>) dst(%dma_wait3A_363 : memref<16x512xf32, #tpu.memory_space<hbm>>)
        %add3A_364 = arith.constant 8 : i32
        %add3A_365 = arith.addi %add3A_337, %add3A_364 : i32
        %mul3A_366 = arith.constant 16 : i32
        %mul3A_367 = arith.muli %add3A_365, %mul3A_366 : i32
        %add3A_368 = arith.constant 0 : i32
        %add3A_369 = arith.addi %mul3A_367, %add3A_368 : i32
        %add3A_370 = vector.broadcast %add3A_369 : i32 to vector<16xi32>
        %add3A_371 = arith.addi %add3A_41, %add3A_370 : vector<16xi32>
        %swap3A_372 = arith.constant 0 : index
        %swap3A_373 = tpu.vector_load %arg21[%swap3A_372] {strides = array<i32>} : memref<16xi32, #tpu.memory_space<vmem>>, vector<16xi32>,
        %swap3A_374 = vector.shape_cast %swap3A_373 : vector<16xi32> to vector<16xi32>
        %swap3A_375 = vector.shape_cast %add3A_371 : vector<16xi32> to vector<16xi32>
        tpu.vector_store %arg21[%swap3A_372], %swap3A_375 {strides = array<i32>} : memref<16xi32, #tpu.memory_space<vmem>>, vector<16xi32>,
        %dma_start3A_376 = arith.constant 0 : i32
        %dma_start3A_377 = arith.constant 0 : i32
        %dma_start3A_378 = tpu.memref_slice %arg2[%dma_start3A_376, %dma_start3A_377] : memref<65536x512xf32, #tpu.memory_space<hbm>> -> memref<65536x512xf32, #tpu.memory_space<hbm>>
        tpu.enqueue_indirect_dma source(%dma_start3A_378 : memref<65536x512xf32, #tpu.memory_space<hbm>>) target(%arg13 : memref<16x512xf32, #tpu.memory_space<vmem>>) offsets(%arg21 : memref<16xi32, #tpu.memory_space<vmem>>) semaphore(%arg29 : memref<!tpu.dma_semaphore, #tpu.memory_space<semaphore_mem>>)
      } else {
      }
    }
    %scan3A_126 = arith.constant 8 : i32
    %add3A_127 = arith.constant 896 : i32
    %add3A_128 = arith.addi %mul3A_43, %add3A_127 : i32
    %multiple_of3A = tpu.assume_multiple %add3A_128, 8 : i32
    %dma_wait3A = arith.constant 0 : i32
    %dma_wait3A_129 = tpu.memref_slice %arg4[%multiple_of3A, %dma_wait3A] : memref<32768x512xf32, #tpu.memory_space<hbm>> -> memref<16x512xf32, #tpu.memory_space<hbm>>
    %dma_wait3A_130 = arith.constant 0 : i32
    %dma_wait3A_131 = tpu.memref_slice %arg4[%multiple_of3A, %dma_wait3A_130] : memref<32768x512xf32, #tpu.memory_space<hbm>> -> memref<16x512xf32, #tpu.memory_space<hbm>>
    tpu.wait_dma2 semaphore(%arg30 : memref<!tpu.dma_semaphore, #tpu.memory_space<semaphore_mem>>) src(%arg6 : memref<16x512xf32, #tpu.memory_space<vmem>>) dst(%dma_wait3A_131 : memref<16x512xf32, #tpu.memory_space<hbm>>)
    %add3A_132 = arith.constant 912 : i32
    %add3A_133 = arith.addi %mul3A_43, %add3A_132 : i32
    %multiple_of3A_134 = tpu.assume_multiple %add3A_133, 8 : i32
    %dma_wait3A_135 = arith.constant 0 : i32
    %dma_wait3A_136 = tpu.memref_slice %arg4[%multiple_of3A_134, %dma_wait3A_135] : memref<32768x512xf32, #tpu.memory_space<hbm>> -> memref<16x512xf32, #tpu.memory_space<hbm>>
    %dma_wait3A_137 = arith.constant 0 : i32
    %dma_wait3A_138 = tpu.memref_slice %arg4[%multiple_of3A_134, %dma_wait3A_137] : memref<32768x512xf32, #tpu.memory_space<hbm>> -> memref<16x512xf32, #tpu.memory_space<hbm>>
    tpu.wait_dma2 semaphore(%arg31 : memref<!tpu.dma_semaphore, #tpu.memory_space<semaphore_mem>>) src(%arg7 : memref<16x512xf32, #tpu.memory_space<vmem>>) dst(%dma_wait3A_138 : memref<16x512xf32, #tpu.memory_space<hbm>>)
    %add3A_139 = arith.constant 928 : i32
    %add3A_140 = arith.addi %mul3A_43, %add3A_139 : i32
    %multiple_of3A_141 = tpu.assume_multiple %add3A_140, 8 : i32
    %dma_wait3A_142 = arith.constant 0 : i32
    %dma_wait3A_143 = tpu.memref_slice %arg4[%multiple_of3A_141, %dma_wait3A_142] : memref<32768x512xf32, #tpu.memory_space<hbm>> -> memref<16x512xf32, #tpu.memory_space<hbm>>
    %dma_wait3A_144 = arith.constant 0 : i32
    %dma_wait3A_145 = tpu.memref_slice %arg4[%multiple_of3A_141, %dma_wait3A_144] : memref<32768x512xf32, #tpu.memory_space<hbm>> -> memref<16x512xf32, #tpu.memory_space<hbm>>
    tpu.wait_dma2 semaphore(%arg32 : memref<!tpu.dma_semaphore, #tpu.memory_space<semaphore_mem>>) src(%arg8 : memref<16x512xf32, #tpu.memory_space<vmem>>) dst(%dma_wait3A_145 : memref<16x512xf32, #tpu.memory_space<hbm>>)
    %add3A_146 = arith.constant 944 : i32
    %add3A_147 = arith.addi %mul3A_43, %add3A_146 : i32
    %multiple_of3A_148 = tpu.assume_multiple %add3A_147, 8 : i32
    %dma_wait3A_149 = arith.constant 0 : i32
    %dma_wait3A_150 = tpu.memref_slice %arg4[%multiple_of3A_148, %dma_wait3A_149] : memref<32768x512xf32, #tpu.memory_space<hbm>> -> memref<16x512xf32, #tpu.memory_space<hbm>>
    %dma_wait3A_151 = arith.constant 0 : i32
    %dma_wait3A_152 = tpu.memref_slice %arg4[%multiple_of3A_148, %dma_wait3A_151] : memref<32768x512xf32, #tpu.memory_space<hbm>> -> memref<16x512xf32, #tpu.memory_space<hbm>>
    tpu.wait_dma2 semaphore(%arg33 : memref<!tpu.dma_semaphore, #tpu.memory_space<semaphore_mem>>) src(%arg9 : memref<16x512xf32, #tpu.memory_space<vmem>>) dst(%dma_wait3A_152 : memref<16x512xf32, #tpu.memory_space<hbm>>)
    %add3A_153 = arith.constant 960 : i32
    %add3A_154 = arith.addi %mul3A_43, %add3A_153 : i32
    %multiple_of3A_155 = tpu.assume_multiple %add3A_154, 8 : i32
    %dma_wait3A_156 = arith.constant 0 : i32
    %dma_wait3A_157 = tpu.memref_slice %arg4[%multiple_of3A_155, %dma_wait3A_156] : memref<32768x512xf32, #tpu.memory_space<hbm>> -> memref<16x512xf32, #tpu.memory_space<hbm>>
    %dma_wait3A_158 = arith.constant 0 : i32
    %dma_wait3A_159 = tpu.memref_slice %arg4[%multiple_of3A_155, %dma_wait3A_158] : memref<32768x512xf32, #tpu.memory_space<hbm>> -> memref<16x512xf32, #tpu.memory_space<hbm>>
    tpu.wait_dma2 semaphore(%arg34 : memref<!tpu.dma_semaphore, #tpu.memory_space<semaphore_mem>>) src(%arg10 : memref<16x512xf32, #tpu.memory_space<vmem>>) dst(%dma_wait3A_159 : memref<16x512xf32, #tpu.memory_space<hbm>>)
    %add3A_160 = arith.constant 976 : i32
    %add3A_161 = arith.addi %mul3A_43, %add3A_160 : i32
    %multiple_of3A_162 = tpu.assume_multiple %add3A_161, 8 : i32
    %dma_wait3A_163 = arith.constant 0 : i32
    %dma_wait3A_164 = tpu.memref_slice %arg4[%multiple_of3A_162, %dma_wait3A_163] : memref<32768x512xf32, #tpu.memory_space<hbm>> -> memref<16x512xf32, #tpu.memory_space<hbm>>
    %dma_wait3A_165 = arith.constant 0 : i32
    %dma_wait3A_166 = tpu.memref_slice %arg4[%multiple_of3A_162, %dma_wait3A_165] : memref<32768x512xf32, #tpu.memory_space<hbm>> -> memref<16x512xf32, #tpu.memory_space<hbm>>
    tpu.wait_dma2 semaphore(%arg35 : memref<!tpu.dma_semaphore, #tpu.memory_space<semaphore_mem>>) src(%arg11 : memref<16x512xf32, #tpu.memory_space<vmem>>) dst(%dma_wait3A_166 : memref<16x512xf32, #tpu.memory_space<hbm>>)
    %add3A_167 = arith.constant 992 : i32
    %add3A_168 = arith.addi %mul3A_43, %add3A_167 : i32
    %multiple_of3A_169 = tpu.assume_multiple %add3A_168, 8 : i32
    %dma_wait3A_170 = arith.constant 0 : i32
    %dma_wait3A_171 = tpu.memref_slice %arg4[%multiple_of3A_169, %dma_wait3A_170] : memref<32768x512xf32, #tpu.memory_space<hbm>> -> memref<16x512xf32, #tpu.memory_space<hbm>>
    %dma_wait3A_172 = arith.constant 0 : i32
    %dma_wait3A_173 = tpu.memref_slice %arg4[%multiple_of3A_169, %dma_wait3A_172] : memref<32768x512xf32, #tpu.memory_space<hbm>> -> memref<16x512xf32, #tpu.memory_space<hbm>>
    tpu.wait_dma2 semaphore(%arg36 : memref<!tpu.dma_semaphore, #tpu.memory_space<semaphore_mem>>) src(%arg12 : memref<16x512xf32, #tpu.memory_space<vmem>>) dst(%dma_wait3A_173 : memref<16x512xf32, #tpu.memory_space<hbm>>)
    %add3A_174 = arith.constant 1008 : i32
    %add3A_175 = arith.addi %mul3A_43, %add3A_174 : i32
    %multiple_of3A_176 = tpu.assume_multiple %add3A_175, 8 : i32
    %dma_wait3A_177 = arith.constant 0 : i32
    %dma_wait3A_178 = tpu.memref_slice %arg4[%multiple_of3A_176, %dma_wait3A_177] : memref<32768x512xf32, #tpu.memory_space<hbm>> -> memref<16x512xf32, #tpu.memory_space<hbm>>
    %dma_wait3A_179 = arith.constant 0 : i32
    %dma_wait3A_180 = tpu.memref_slice %arg4[%multiple_of3A_176, %dma_wait3A_179] : memref<32768x512xf32, #tpu.memory_space<hbm>> -> memref<16x512xf32, #tpu.memory_space<hbm>>
    tpu.wait_dma2 semaphore(%arg37 : memref<!tpu.dma_semaphore, #tpu.memory_space<semaphore_mem>>) src(%arg13 : memref<16x512xf32, #tpu.memory_space<vmem>>) dst(%dma_wait3A_180 : memref<16x512xf32, #tpu.memory_space<hbm>>)
    return
  }
}

</mosaic_0001>

<sc_bundles>
// kernel: kernel.3.cloned.1.call-start
scs
__scs_entry_jumppad:
0x0: {  	(pc) =	sbr.rel $0x88, $3  }
0x1: {  	(tag) =	ssettag $0x0;
	lr =	simm.s32 $0x1  }
0x2: {  	[smem:$0x3F9E] =	sst lr;
	_ =	strace $0xD0000000  }
0x3: {  	_ = 	snop  }
0x4: {  	_ = 	snop  }
0x5: {  	_ = 	snop  }
0x6: {  	_ = 	snop  }
0x7: {  	_ = 	snop  }
__scs_overlays_trampoline_lowered:
0x8: {  	[smem:$0x3FAD] =	sst s0  }
0x9: {  	[smem:$0x3FAE] =	sst s1  }
0xa: {  	[smem:$0x3FAF] =	sst s2  }
0xb: {  	[smem:$0x3FB0] =	sst s3  }
0xc: {  	[smem:$0x3FB1] =	sst s4  }
0xd: {  	[smem:$0x3FB2] =	sst s5  }
0xe: {  	[smem:$0x3FB3] =	sst s6  }
0xf: {  	[smem:$0x3FB4] =	sst s7  }
0x10: {  	[smem:$0x3FB5] =	sst s8  }
0x11: {  	[smem:$0x3FB6] =	sst s9;
	s0 =	simm.s32 @!p0 $0x0  }
0x12: {  	s1 =	sld [smem:$0x3F9C];
	s0 =	simm.s32 @p0 $0x1  }
0x13: {  	[smem:$0x3FB7] =	sst s0;
	s0 =	simm.s32 @!p1 $0x0  }
0x14: {  	s2 =	sld [smem:$0x3F9B];
	s0 =	simm.s32 @p1 $0x1  }
0x15: {  	[smem:$0x3FB8] =	sst s0;
	s0 =	simm.s32 @!p2 $0x0  }
0x16: {  	s3 =	sld [smem:$0x3FDB];
	s0 =	simm.s32 @p2 $0x1  }
0x17: {  	s4 =	simm.s32 $0x1BF5;
	[smem:$0x3FBA] =	sst s0  }
0x18: {  	s0 =	sld [smem:$0x3F9D];
	_ =	swait.ge [sflag:s4], $0x0  }
0x19: {  	s7 =	sld [smem:$0x3F9E]  }
0x1a: {  	s8 =	sadd.s32 $0xFFFFE003, lr  }
0x1b: {  	s9 =	sadd.s32 $0xFFFFFEF7, lr;
	s5 =	simm.s32 $0xFFFFFFFF;
	p2 =	slt.u32 s8, $0xFFFFF086  }
0x1c: {  	p1 =	slt.u32 s9, $0xF7A;
	s5 =	simm.s32 @!p2 $0x0  }
0x1d: {  	s5 =	simm.s32 @p1 $0x1;
	p0 =	seq.s32 s7, s2  }
0x1e: {  	s7 =	smul.u32 @!p0 $0xF7A, s2;
	p2 =	seq.s32 @!p0 s5, $0x0  }
0x1f: {  	s9 =	smul.u32 $0xF7A, s1;
	s8 =	simm.s32 @!p0 $0x1BF5;
	p2 =	por !p2, p0  }
0x20: {  	[sflag:s8] =	ssyncset.s32 @!p0 $0xFFFFF086;
	s6 =	sadd.s32 @!p0 s3, s7;
	s7 =	simm.s32 @!p0 $0x108  }
0x21: {  	s3 =	sadd.s32 s3, s9;
	s6 =	sadd.s32 @!p0 $0x88, s6;
	s7 =	simm.s32 @p2 $0x1082  }
0x22: {  	[simem:s7], [sflag:s8] =	dma.local @!p0 [hbm:s6], $0xF7A  }
0x23: {  	s9 =	sor.u32 $0xD0000000, s2;
	s6 =	simm.s32 $0x108;
	_ =	swait.ge @!p0 [sflag:s8], $0x0  }
0x24: {  	s3 =	sadd.s32 $0x88, s3;
	s6 =	simm.s32 @!p1 $0x1082;
	[sflag:s4] =	ssyncset.s32 $0xFFFFF086  }
0x25: {  	[simem:s6], [sflag:s4] =	dma.local [hbm:s3], $0xF7A  }
0x26: {  	[smem:$0x3F9E] =	sst s1;
	(tag) =	ssettag s2;
	_ =	strace s9  }
0x27: {  	s1 =	sld [smem:$0x3FAE]  }
0x28: {  	s2 =	sld [smem:$0x3FAF]  }
0x29: {  	s4 =	sld [smem:$0x3FB1]  }
0x2a: {  	p0 =	seq.s32 s5, $0x0;
	s5 =	sld [smem:$0x3FB2]  }
0x2b: {  	s6 =	sld [smem:$0x3FB3]  }
0x2c: {  	s7 =	sld [smem:$0x3FB4]  }
0x2d: {  	s3 =	simm.s32 $0x108;
	s8 =	sld [smem:$0x3FB5]  }
0x2e: {  	s3 =	simm.s32 @!p0 $0x1082;
	s9 =	sld [smem:$0x3FB6]  }
0x2f: {  	lr =	sadd.s32 s0, s3;
	s0 =	sld [smem:$0x3FAD]  }
0x30: {  	s3 =	sld [smem:$0x3FB0]  }
0x31: {  	[smem:$0x3FB9] =	sst s10  }
0x32: {  	s10 =	sld [smem:$0x3FB7];
	_ =	sdelay $0x3  }
0x33: {  	p0 =	seq.s32 s10, $0x1;
	s10 =	sld [smem:$0x3FB9];
	_ =	sdelay $0x3  }
0x34: {  	[smem:$0x3FB9] =	sst s10  }
0x35: {  	s10 =	sld [smem:$0x3FB8];
	_ =	sdelay $0x3  }
0x36: {  	p1 =	seq.s32 s10, $0x1;
	s10 =	sld [smem:$0x3FB9];
	_ =	sdelay $0x3  }
0x37: {  	[smem:$0x3FB9] =	sst s10  }
0x38: {  	s10 =	sld [smem:$0x3FBA]  }
0x39: {  	_ = 	snop;
	(pc) =	sbr.ind lr, $3  }
0x3a: {  	_ = 	snop  }
0x3b: {  	_ = 	snop  }
0x3c: {  	p2 =	seq.s32 s10, $0x1;
	s10 =	sld [smem:$0x3FB9]  }
0x3d: {  	_ =	shalt  }
0x3e: {  	_ =	shalt  }
0x3f: {  	_ =	shalt  }
0x40: {  	_ =	shalt  }
0x41: {  	_ =	shalt  }
0x42: {  	_ =	shalt  }
0x43: {  	_ =	shalt  }
0x44: {  	_ =	shalt  }
0x45: {  	_ =	shalt  }
0x46: {  	_ =	shalt  }
0x47: {  	_ =	shalt  }
0x48: {  	_ =	shalt  }
0x49: {  	_ =	shalt  }
0x4a: {  	_ =	shalt  }
0x4b: {  	_ =	shalt  }
0x4c: {  	_ =	shalt  }
0x4d: {  	_ =	shalt  }
0x4e: {  	_ =	shalt  }
0x4f: {  	_ =	shalt  }
0x50: {  	_ =	shalt  }
0x51: {  	_ =	shalt  }
0x52: {  	_ =	shalt  }
0x53: {  	_ =	shalt  }
0x54: {  	_ =	shalt  }
0x55: {  	_ =	shalt  }
0x56: {  	_ =	shalt  }
0x57: {  	_ =	shalt  }
0x58: {  	_ =	shalt  }
0x59: {  	_ =	shalt  }
0x5a: {  	_ =	shalt  }
0x5b: {  	_ =	shalt  }
0x5c: {  	_ =	shalt  }
0x5d: {  	_ =	shalt  }
0x5e: {  	_ =	shalt  }
0x5f: {  	_ =	shalt  }
0x60: {  	_ =	shalt  }
0x61: {  	_ =	shalt  }
0x62: {  	_ =	shalt  }
0x63: {  	_ =	shalt  }
0x64: {  	_ =	shalt  }
0x65: {  	_ =	shalt  }
0x66: {  	_ =	shalt  }
0x67: {  	_ =	shalt  }
0x68: {  	_ =	shalt  }
0x69: {  	_ =	shalt  }
0x6a: {  	_ =	shalt  }
0x6b: {  	_ =	shalt  }
0x6c: {  	_ =	shalt  }
0x6d: {  	_ =	shalt  }
0x6e: {  	_ =	shalt  }
0x6f: {  	_ =	shalt  }
0x70: {  	_ =	shalt  }
0x71: {  	_ =	shalt  }
0x72: {  	_ =	shalt  }
0x73: {  	_ =	shalt  }
0x74: {  	_ =	shalt  }
0x75: {  	_ =	shalt  }
0x76: {  	_ =	shalt  }
0x77: {  	_ =	shalt  }
0x78: {  	_ =	shalt  }
0x79: {  	_ =	shalt  }
0x7a: {  	_ =	shalt  }
0x7b: {  	_ =	shalt  }
0x7c: {  	_ =	shalt  }
0x7d: {  	_ =	shalt  }
0x7e: {  	_ =	shalt  }
0x7f: {  	_ =	shalt  }
0x80: {  	_ =	shalt  }
0x81: {  	_ =	shalt  }
0x82: {  	_ =	shalt  }
0x83: {  	_ =	shalt  }
0x84: {  	_ =	shalt  }
0x85: {  	_ =	shalt  }
0x86: {  	_ =	shalt  }
0x87: {  	_ =	shalt  }
.Lfunc_end0:
.L_simem_size_0:
called_computation_lowered:
.L_overlay_start_0:
0x88: {  	s2 =	sld [smem:$0x3FD9]  }
0x89: {  	s3 =	sld [smem:$0x3FFE];
	_ =	sdelay $0x1  }
0x8a: {  	s1 =	srdreg.scid  }
0x8b: {  	s0 =	sand.u32 $0x1, s1  }
0x8c: {  	s15 =	sshll.u32 s0, $0xA;
	s2 =	sadd.s32 s3, s2  }
0x8d: {  	s2 =	sadd.s32 s2, s15  }
0x8e: {  	[smem:$0x3FC5] =	sst s2  }
0x8f: {  	_ = 	snop  }
0x90: {  	s2 =	sld [smem:$0x3FD0];
	_ =	sdelay $0x2  }
0x91: {  	s4 =	simm.s32 $0xA;
	s5 =	simm.s32 $0x10;
	s16 =	sld [smem:$0x3FC9]  }
0x92: {  	[smem:s5], [sflag:s4] =	dma.local [hbm:s2], $0x1  }
0x93: {  	_ =	swait.eq [sflag:s4], $0x1  }
0x94: {  	[sflag:s4] =	ssyncset.done $0x0  }
0x95: {  	s17 =	sld [smem:$0x10];
	[sflag:s4] =	ssyncadd.s32 $0xFFFFFFFF  }
0x96: {  	s18 =	sld [smem:$0x11];
	(tm) =	ssettm $0x1  }
0x97: {  	s19 =	sld [smem:$0x3FFB];
	_ =	sdelay $0x3  }
0x98: {  	_ =	strace s19  }
0x99: {  	s5 =	sld [smem:$0x3FFC];
	_ =	sdelay $0x3  }
0x9a: {  	_ =	strace s5  }
0x9b: {  	s5 =	sld [smem:$0x3FFD];
	_ =	sdelay $0x3  }
0x9c: {  	_ =	strace s5  }
0x9d: {  	_ =	strace $0x8FFFFFFF  }
0x9e: {  	s20 =	sld [smem:$0x3FDB];
	_ =	sdelay $0x1  }
0x9f: {  	s6 =	simm.s32 $_scs_section_size  }
0xa0: {  	s7 =	simm.s32 $_size__tile_overlayer_lowered;
	s8 =	simm.s32 $_tile_overlayer_lowered  }
0xa1: {  	s23 =	simm.s32 $0x1BFF;
	s22 =	sshll.u32 s8, $0x1;
	s5 =	sadd.s32 s6, s20  }
0xa2: {  	s9 =	simm.s32 $0x0;
	s21 =	sshll.u32 s7, $0x1;
	s7 =	sadd.s32 s22, s5  }
0xa3: {  	[timem:s9], [sflag:s23] =	dma.local [hbm:s7], s21  }
0xa4: {  	_ =	swait.ge [sflag:s23], s21  }
0xa5: {  	s6 =	ssub.s32 $0x0, s21;
	[sflag:s23] =	ssyncset.done $0x0  }
0xa6: {  	[sflag:s23] =	ssyncadd.s32 s6;
	_ =	sdelay $0x1  }
0xa7: {  	s24 =	simm.s32 $0x1B8B  }
0xa8: {  	_ =	swait.ge [sflag:s24], $0x1  }
0xa9: {  	[sflag:s24] =	ssyncset.done $0x0  }
0xaa: {  	s25 =	simm.s32 $0x1B8E;
	[sflag:s24] =	ssyncadd.s32 $0xFFFFFFFF  }
0xab: {  	s26 =	simm.s32 $execute0_lowered;
	[smem:$0x3FD2] =	sst s25  }
0xac: {  	s6 =	sshll.u32 s26, $0x1;
	_ =	strace $0x80000046;
	[dreg:$0x1] =	wrdreg $0xFFFFFFFF  }
0xad: {  	s28 =	simm.s32 $_size_execute0_lowered;
	s5 =	sadd.s32 s5, s6;
	[dreg:$0x0] =	wrdreg $0x0  }
0xae: {  	s6 =	sshll.u32 s28, $0x1;
	[dreg:$0x2] =	wrdreg s5  }
0xaf: {  	[dreg:$0x3] =	wrdreg s6  }
0xb0: {  	[dreg:$0x4] =	wrdreg $0xC0  }
0xb1: {  	_ =	task [dreg:s9], $0x5FFFF  }
0xb2: {  	[dreg:$0x1] =	wrdreg $0xFFFFFFFF  }
0xb3: {  	[dreg:$0x0] =	wrdreg $0x60  }
0xb4: {  	[dreg:$0x2] =	wrdreg s16  }
0xb5: {  	[dreg:$0x3] =	wrdreg s18  }
0xb6: {  	[dreg:$0x4] =	wrdreg s17  }
0xb7: {  	[dreg:$0x5] =	wrdreg $0x9  }
0xb8: {  	_ =	task.clear_ibuf [dreg:s9], $0x6FFFF;
	_ =	strace $0x90000046  }
0xb9: {  	s29 =	simm.s32 $0x9;
	_ =	strace $0x80000048  }
0xba: {  	_ =	swait.ge [sflag:s29], $0x1  }
0xbb: {  	[sflag:s29] =	ssyncadd.s32 $0xFFFFFFFF  }
0xbc: {  	_ =	strace $0x90000048  }
0xbd: {  	_ =	sfence  }
0xbe: {  	s30 =	sld [smem:$0x0];
	_ =	sdelay $0x2  }
0xbf: {  	s31 =	sshll.u32 s1, $0xD;
	s1 =	sshrl.u32 s1, $0x2  }
0xc0: {  	s3 =	sand.u32 $0x4000, s31;
	s1 =	sadd.s32 s1, s30  }
0xc1: {  	s0 =	sor.u32 s3, s0;
	s1 =	sshll.u32 s1, $0x11  }
0xc2: {  	s0 =	sor.u32 s1, s0  }
0xc3: {  	s0 =	sadd.s32 $0x8F2B, s0  }
0xc4: {  	[sflag:s0] =	ssyncadd.remote.s32 $0x1  }
0xc5: {  	_ =	sfence.sel $0xFFFF  }
0xc6: {  	[dreg:$0x0] =	wrdreg $0xFFFFFFFF;
	(pc) =	sbr.abs _section_cstart, $3  }
0xc7: {  	[dreg:$0x1] =	wrdreg $0xFFFFFFFF  }
0xc8: {  	_ =	task.clear_ibuf [dreg:s9], $0x2FFFF;
	_ =	strace $0x9FFFFFFF  }
0xc9: {  	(tm) =	ssettm $0x7FFFFFFF  }
tec
execute0_lowered:
.L_overlay_start_1:
0x0: {  	(tag) =	ssettag $0x1  }
0x1: {  	s0 =	srdreg.scid;
	s1 =	rddreg [dreg:$0x0]  }
0x2: {  	s9 =	stileid.u32;
	s3 =	rddreg [dreg:$0x2];
	s4 =	simm.s32 $0x0  }
0x3: {  	s10 =	simm.s32 $0x80;
	s14 =	simm.s32 $0x2080;
	s18 =	simm.s32 $0x4080  }
0x4: {  	s22 =	simm.s32 $0x6080;
	s31 =	simm.s32 $0xA080;
	s11 =	simm.s32 $0xC080  }
0x5: {  	s16 =	simm.s32 $0xE080;
	s17 =	simm.s32 $0xE880;
	s19 =	simm.s32 $0xF080  }
0x6: {  	s20 =	simm.s32 $0xF880;
	s21 =	simm.s32 $0x2;
	s23 =	simm.s32 $0x3  }
0x7: {  	s24 =	simm.s32 $0x4;
	s25 =	simm.s32 $0x5;
	s28 =	simm.s32 $0x6  }
0x8: {  	s29 =	simm.s32 $0x7;
	s30 =	simm.s32 $0x8;
	s13 =	simm.s32 $0xD  }
0x9: {  	s15 =	simm.s32 $0xE;
	s0 =	sand.u32 $0x1, s0;
	s2 =	sshll.u32 s9, $0x1  }
0xa: {  	[smem:$0x7FF] =	sst s4;
	s2 =	sor.u32 s0, s2;
	p1 =	seq.s32 s0, $0x1  }
0xb: {  	s5 =	ssub.s32 $0x2, s0;
	_ =	strace $0x80000047;
	s8 =	sshll.u32 s0, $0xA  }
0xc: {  	s0 =	sshll.u32 s0, $0x10;
	p0 =	seq.s32 s2, $0x0;
	s6 =	sshrl.u32 s5, $0x1  }
0xd: {  	s2 =	simm.s32 $0x1;
	p0 =	por !p0, !p1;
	s7 =	ssub.s32 s5, s6  }
0xe: {  	v0 =	vlaneseq.u32;
	vm0 =	vmmov $0xffff;
	s5 =	simm.s32 $0x1;
	s6 =	sadd.s32 $0x100, s1;
	p0 =	por !p0, !p0  }
.Ltmp0:
0xf: {  	v4 =	vshrl.u32 v0, $0x3;
	v3 =	vand.u32 $0x7, v0;
	v5 =	vor.u32 $0x8, v0;
	s7 =	smax.u32 s7, $0x1;
	s2 =	simm.s32 @!p0 $0x0;
	(pc) =	sbr.rel .LBB2_1-.Ltmp0, $4  }
0x10: {  	v6 =	vor.u32 $0x10, v0;
	v7 =	vor.u32 $0x20, v0;
	v8 =	vor.u32 $0x30, v0;
	[dreg:$0x4] =	wrdreg s7;
	s2 =	ssub.s32 s9, s2;
	s9 =	sshll.u32 s9, $0x11  }
0x11: {  	v9 =	vor.u32 $0x40, v0;
	v10 =	vor.u32 $0x50, v0;
	s7 =	simm.s32 $0xF;
	s26 =	sshll.u32 s2, $0xC;
	s3 =	sadd.s32 s9, s3;
	v2 =	vmov s2  }
0x12: {  	v11 =	vor.u32 $0x60, v0;
	v12 =	vor.u32 $0x70, v0;
	s9 =	simm.s32 $0x0;
	s8 =	sor.u32 s8, s26;
	s0 =	sadd.s32 s0, s3;
	v2 =	vand.u32 $0xF, v2  }
0x13: {  	v4 =	vmul.u32 $0x8, v4;
	s26 =	simm.s32 $0x8080;
	[dreg:$0x5] =	wrdreg s0;
	v1 =	vmov s8;
	v2 =	vbroadcast v2, $0x0;
	s8 =	simm.s32 $0x10  }
.LBB2_4:
0x14: {  	s0 =	simm.s32 $0x9  }
0x15: {  	_ =	swait.ge [sflag:s0], $0x2000  }
0x16: {  	[sflag:s0] =	ssyncset.done $0x0  }
0x17: {  	s12 =	simm.s32 $0xA;
	[sflag:s0] =	ssyncadd.s32 $0xFFFFE000  }
0x18: {  	_ =	swait.ge [sflag:s12], $0x2000  }
0x19: {  	[sflag:s12] =	ssyncset.done $0x0  }
0x1a: {  	s2 =	simm.s32 $0xB;
	[sflag:s12] =	ssyncadd.s32 $0xFFFFE000  }
0x1b: {  	_ =	swait.ge [sflag:s2], $0x2000  }
0x1c: {  	[sflag:s2] =	ssyncset.done $0x0  }
0x1d: {  	s3 =	simm.s32 $0xC;
	[sflag:s2] =	ssyncadd.s32 $0xFFFFE000  }
0x1e: {  	_ =	swait.ge [sflag:s3], $0x2000  }
0x1f: {  	[sflag:s3] =	ssyncset.done $0x0  }
0x20: {  	[sflag:s3] =	ssyncadd.s32 $0xFFFFE000  }
0x21: {  	_ =	swait.ge [sflag:s13], $0x2000  }
0x22: {  	[sflag:s13] =	ssyncset.done $0x0  }
0x23: {  	[sflag:s13] =	ssyncadd.s32 $0xFFFFE000  }
0x24: {  	_ =	swait.ge [sflag:s15], $0x2000  }
0x25: {  	[sflag:s15] =	ssyncset.done $0x0  }
0x26: {  	[sflag:s15] =	ssyncadd.s32 $0xFFFFE000  }
0x27: {  	_ =	swait.ge [sflag:s7], $0x2000  }
0x28: {  	[sflag:s7] =	ssyncset.done $0x0  }
0x29: {  	[sflag:s7] =	ssyncadd.s32 $0xFFFFE000  }
0x2a: {  	_ =	swait.ge [sflag:s8], $0x2000  }
0x2b: {  	s9 =	sadd.s32 $0x1, s9;
	s12 =	rddreg [dreg:$0x4]  }
0x2c: {  	p0 =	sne.s32 s9, s12  }
.Ltmp1:
0x2d: {  	_ = 	snop;
	(pc) =	sbr.rel @!p0 .LBB2_5-.Ltmp1, $3  }
0x2e: {  	_ =	sdelay $0x1  }
0x2f: {  	[sflag:s8] =	ssyncset.done $0x0  }
0x30: {  	[sflag:s8] =	ssyncadd.s32 $0xFFFFE000  }
.LBB2_1:
0x31: {  	s0 =	rddreg [dreg:$0x1];
	s12 =	simm.s32 $0x11  }
0x32: {  	[tilespmem:s4], [sflag:$0x11] =	stream.linear.gather [hbm4b:s0+s4], $0x80, $0x38;
	[tilespmem:$0x10480] =	vst v63  }
0x33: {  	_ =	swait.ge [sflag:s12], $0x80  }
0x34: {  	[sflag:s12] =	ssyncset.done $0x0  }
0x35: {  	[sflag:s12] =	ssyncadd.s32 $0xFFFFFF80  }
0x36: {  	v13 =	vld [tilespmem:$0x0];
	_ =	sdelay $0x4  }
0x37: {  	v13 =	vperm.xlane v13, v2;
	_ =	sdelay $0x1  }
0x38: {  	v15 =	vadd.s32 v1, v13  }
0x39: {  	v13 =	vadd.s32 v0, v15  }
0x3a: {  	v16 =	vshll.u32 v13, $0x2  }
0x3b: {  	v14 =	vand.u32 $0x7, v13;
	v16 =	vand.u32 $0xFFFFFFE0, v16  }
0x3c: {  	v16 =	vor.u32 v14, v16  }
0x3d: {  	v17 =	vperm.xlane v16, v3;
	_ =	sdelay $0x1  }
0x3e: {  	v17 =	vadd.s32 v4, v17;
	_ =	sdelay $0x1  }
0x3f: {  	v18 =	vadd.s32 v6, v15;
	v16 =	vperm.xlane v16, v5  }
0x40: {  	v19 =	vshll.u32 v18, $0x2  }
0x41: {  	[tilespmem:$0x10080] =	vst v13;
	v20 =	vand.u32 $0x7, v18;
	v19 =	vand.u32 $0xFFFFFFE0, v19;
	v16 =	vadd.s32 v4, v16  }
0x42: {  	v19 =	vor.u32 v20, v19;
	[tilespmem:s10], [sflag:$0x1] =	stream.indirect_vreg.gather [hbm4b:s1+s4], $0x80, v17, vm0, $0xb8;
	[tilespmem:$0x10480] =	vst v63  }
0x43: {  	s2 =	simm.s32 $0x880;
	v20 =	vperm.xlane v19, v3  }
0x44: {  	[tilespmem:s2], [sflag:$0x1] =	stream.indirect_vreg.gather [hbm4b:s6+s4], $0x80, v17, vm0, $0xb8;
	[tilespmem:$0x10480] =	vst v63  }
0x45: {  	s3 =	simm.s32 $0x1080;
	v39 =	vadd.s32 v4, v20  }
0x46: {  	[tilespmem:s3], [sflag:$0x1] =	stream.indirect_vreg.gather [hbm4b:s1+s4], $0x80, v16, vm0, $0xb8;
	[tilespmem:$0x10480] =	vst v63  }
0x47: {  	s12 =	simm.s32 $0x1880;
	v40 =	vadd.s32 v7, v15;
	v19 =	vperm.xlane v19, v5  }
0x48: {  	v41 =	vshll.u32 v40, $0x2;
	[tilespmem:s12], [sflag:$0x1] =	stream.indirect_vreg.gather [hbm4b:s6+s4], $0x80, v16, vm0, $0xb8;
	[tilespmem:$0x10480] =	vst v63  }
0x49: {  	v43 =	vand.u32 $0x7, v40;
	v42 =	vadd.s32 v4, v19;
	v16 =	vand.u32 $0xFFFFFFE0, v41;
	[tilespmem:$0x10100] =	vst v18  }
0x4a: {  	v16 =	vor.u32 v43, v16;
	[tilespmem:s14], [sflag:$0x2] =	stream.indirect_vreg.gather [hbm4b:s1+s4], $0x80, v39, vm0, $0xb8;
	[tilespmem:$0x10480] =	vst v63  }
0x4b: {  	s2 =	simm.s32 $0x2880;
	v19 =	vperm.xlane v16, v3  }
0x4c: {  	[tilespmem:s2], [sflag:$0x2] =	stream.indirect_vreg.gather [hbm4b:s6+s4], $0x80, v39, vm0, $0xb8;
	[tilespmem:$0x10480] =	vst v63  }
0x4d: {  	s3 =	simm.s32 $0x3080;
	v44 =	vadd.s32 v4, v19  }
0x4e: {  	[tilespmem:s3], [sflag:$0x2] =	stream.indirect_vreg.gather [hbm4b:s1+s4], $0x80, v42, vm0, $0xb8;
	[tilespmem:$0x10480] =	vst v63  }
0x4f: {  	v45 =	vadd.s32 v8, v15;
	s12 =	simm.s32 $0x3880;
	v16 =	vperm.xlane v16, v5  }
0x50: {  	v46 =	vshll.u32 v45, $0x2;
	[tilespmem:s12], [sflag:$0x2] =	stream.indirect_vreg.gather [hbm4b:s6+s4], $0x80, v42, vm0, $0xb8;
	[tilespmem:$0x10480] =	vst v63  }
0x51: {  	v47 =	vand.u32 $0x7, v45;
	v18 =	vand.u32 $0xFFFFFFE0, v46;
	v16 =	vadd.s32 v4, v16;
	[tilespmem:$0x10180] =	vst v40  }
0x52: {  	v18 =	vor.u32 v47, v18;
	[tilespmem:s18], [sflag:$0x3] =	stream.indirect_vreg.gather [hbm4b:s1+s4], $0x80, v44, vm0, $0xb8;
	[tilespmem:$0x10480] =	vst v63  }
0x53: {  	v20 =	vperm.xlane v18, v3;
	s2 =	simm.s32 $0x4880  }
0x54: {  	[tilespmem:s2], [sflag:$0x3] =	stream.indirect_vreg.gather [hbm4b:s6+s4], $0x80, v44, vm0, $0xb8;
	[tilespmem:$0x10480] =	vst v63  }
0x55: {  	v48 =	vadd.s32 v4, v20;
	s3 =	simm.s32 $0x5080  }
0x56: {  	[tilespmem:s3], [sflag:$0x3] =	stream.indirect_vreg.gather [hbm4b:s1+s4], $0x80, v16, vm0, $0xb8;
	[tilespmem:$0x10480] =	vst v63  }
0x57: {  	v49 =	vadd.s32 v9, v15;
	v18 =	vperm.xlane v18, v5;
	s12 =	simm.s32 $0x5880  }
0x58: {  	v50 =	vshll.u32 v49, $0x2;
	[tilespmem:s12], [sflag:$0x3] =	stream.indirect_vreg.gather [hbm4b:s6+s4], $0x80, v16, vm0, $0xb8;
	[tilespmem:$0x10480] =	vst v63  }
0x59: {  	v51 =	vand.u32 $0x7, v49;
	v18 =	vadd.s32 v4, v18;
	v16 =	vand.u32 $0xFFFFFFE0, v50;
	[tilespmem:$0x10200] =	vst v45  }
0x5a: {  	v16 =	vor.u32 v51, v16;
	[tilespmem:s22], [sflag:$0x4] =	stream.indirect_vreg.gather [hbm4b:s1+s4], $0x80, v48, vm0, $0xb8;
	[tilespmem:$0x10480] =	vst v63  }
0x5b: {  	s2 =	simm.s32 $0x6880;
	v19 =	vperm.xlane v16, v3  }
0x5c: {  	[tilespmem:s2], [sflag:$0x4] =	stream.indirect_vreg.gather [hbm4b:s6+s4], $0x80, v48, vm0, $0xb8;
	[tilespmem:$0x10480] =	vst v63  }
0x5d: {  	s3 =	simm.s32 $0x7080;
	v52 =	vadd.s32 v4, v19  }
0x5e: {  	[tilespmem:s3], [sflag:$0x4] =	stream.indirect_vreg.gather [hbm4b:s1+s4], $0x80, v18, vm0, $0xb8;
	[tilespmem:$0x10480] =	vst v63  }
0x5f: {  	v53 =	vadd.s32 v10, v15;
	s12 =	simm.s32 $0x7880;
	v16 =	vperm.xlane v16, v5  }
0x60: {  	v54 =	vshll.u32 v53, $0x2;
	[tilespmem:s12], [sflag:$0x4] =	stream.indirect_vreg.gather [hbm4b:s6+s4], $0x80, v18, vm0, $0xb8;
	[tilespmem:$0x10480] =	vst v63  }
0x61: {  	v55 =	vand.u32 $0x7, v53;
	v16 =	vadd.s32 v4, v16;
	v18 =	vand.u32 $0xFFFFFFE0, v54;
	[tilespmem:$0x10280] =	vst v49  }
0x62: {  	v18 =	vor.u32 v55, v18;
	[tilespmem:s26], [sflag:$0x5] =	stream.indirect_vreg.gather [hbm4b:s1+s4], $0x80, v52, vm0, $0xb8;
	[tilespmem:$0x10480] =	vst v63  }
0x63: {  	s2 =	simm.s32 $0x8880;
	v20 =	vperm.xlane v18, v3  }
0x64: {  	[tilespmem:s2], [sflag:$0x5] =	stream.indirect_vreg.gather [hbm4b:s6+s4], $0x80, v52, vm0, $0xb8;
	[tilespmem:$0x10480] =	vst v63  }
0x65: {  	s3 =	simm.s32 $0x9080;
	v56 =	vadd.s32 v4, v20  }
0x66: {  	[tilespmem:s3], [sflag:$0x5] =	stream.indirect_vreg.gather [hbm4b:s1+s4], $0x80, v16, vm0, $0xb8;
	[tilespmem:$0x10480] =	vst v63  }
0x67: {  	v57 =	vadd.s32 v11, v15;
	s12 =	simm.s32 $0x9880;
	v18 =	vperm.xlane v18, v5  }
0x68: {  	v58 =	vshll.u32 v57, $0x2;
	[tilespmem:s12], [sflag:$0x5] =	stream.indirect_vreg.gather [hbm4b:s6+s4], $0x80, v16, vm0, $0xb8;
	[tilespmem:$0x10480] =	vst v63  }
0x69: {  	v59 =	vand.u32 $0x7, v57;
	v18 =	vadd.s32 v4, v18;
	v16 =	vand.u32 $0xFFFFFFE0, v58;
	[tilespmem:$0x10300] =	vst v53  }
0x6a: {  	v16 =	vor.u32 v59, v16;
	[tilespmem:s31], [sflag:$0x6] =	stream.indirect_vreg.gather [hbm4b:s1+s4], $0x80, v56, vm0, $0xb8;
	[tilespmem:$0x10480] =	vst v63  }
0x6b: {  	s2 =	simm.s32 $0xA880;
	v19 =	vperm.xlane v16, v3  }
0x6c: {  	[tilespmem:s2], [sflag:$0x6] =	stream.indirect_vreg.gather [hbm4b:s6+s4], $0x80, v56, vm0, $0xb8;
	[tilespmem:$0x10480] =	vst v63  }
0x6d: {  	s3 =	simm.s32 $0xB080;
	v60 =	vadd.s32 v4, v19  }
0x6e: {  	[tilespmem:s3], [sflag:$0x6] =	stream.indirect_vreg.gather [hbm4b:s1+s4], $0x80, v18, vm0, $0xb8;
	[tilespmem:$0x10480] =	vst v63  }
0x6f: {  	v15 =	vadd.s32 v12, v15;
	s12 =	simm.s32 $0xB880;
	v16 =	vperm.xlane v16, v5  }
0x70: {  	v61 =	vshll.u32 v15, $0x2;
	[tilespmem:s12], [sflag:$0x6] =	stream.indirect_vreg.gather [hbm4b:s6+s4], $0x80, v18, vm0, $0xb8;
	[tilespmem:$0x10480] =	vst v63  }
0x71: {  	v62 =	vand.u32 $0x7, v15;
	v16 =	vadd.s32 v4, v16;
	v18 =	vand.u32 $0xFFFFFFE0, v61;
	[tilespmem:$0x10380] =	vst v57  }
0x72: {  	v18 =	vor.u32 v62, v18;
	[tilespmem:s11], [sflag:$0x7] =	stream.indirect_vreg.gather [hbm4b:s1+s4], $0x80, v60, vm0, $0xb8;
	[tilespmem:$0x10480] =	vst v63  }
0x73: {  	s2 =	simm.s32 $0xC880;
	v19 =	vperm.xlane v18, v3  }
0x74: {  	[tilespmem:s2], [sflag:$0x7] =	stream.indirect_vreg.gather [hbm4b:s6+s4], $0x80, v60, vm0, $0xb8;
	[tilespmem:$0x10480] =	vst v63  }
0x75: {  	s3 =	simm.s32 $0xD080;
	v63 =	vadd.s32 v4, v19  }
0x76: {  	[tilespmem:s3], [sflag:$0x7] =	stream.indirect_vreg.gather [hbm4b:s1+s4], $0x80, v16, vm0, $0xb8;
	[tilespmem:$0x10480] =	vst v63  }
0x77: {  	s12 =	simm.s32 $0xD880;
	v18 =	vperm.xlane v18, v5  }
0x78: {  	[tilespmem:s12], [sflag:$0x7] =	stream.indirect_vreg.gather [hbm4b:s6+s4], $0x80, v16, vm0, $0xb8;
	[tilespmem:$0x10480] =	vst v63  }
0x79: {  	[tilespmem:$0x10400] =	vst v15;
	v15 =	vadd.s32 v4, v18  }
0x7a: {  	[tilespmem:s16], [sflag:$0x8] =	stream.indirect_vreg.gather [hbm4b:s1+s4], $0x80, v63, vm0, $0xb8;
	[tilespmem:$0x10480] =	vst v63  }
0x7b: {  	_ = 	snop  }
0x7c: {  	[tilespmem:s17], [sflag:$0x8] =	stream.indirect_vreg.gather [hbm4b:s6+s4], $0x80, v63, vm0, $0xb8;
	[tilespmem:$0x10480] =	vst v63  }
0x7d: {  	_ = 	snop  }
0x7e: {  	[tilespmem:s19], [sflag:$0x8] =	stream.indirect_vreg.gather [hbm4b:s1+s4], $0x80, v15, vm0, $0xb8;
	[tilespmem:$0x10480] =	vst v63  }
0x7f: {  	s0 =	rddreg [dreg:$0x5];
	s2 =	simm.s32 $0xF0  }
0x80: {  	[tilespmem:s20], [sflag:$0x8] =	stream.indirect_vreg.gather [hbm4b:s6+s4], $0x80, v15, vm0, $0xb8;
	[tilespmem:$0x10480] =	vst v63  }
.LBB2_2:
0x81: {  	p0 =	seq.s32 s2, $0x470  }
0x82: {  	s3 =	sadd.s32 @!p0 $0xFFFFFF90, s2  }
0x83: {  	v18 =	vadd.s32 @!p0 s3, v13  }
0x84: {  	v15 =	vshll.u32 @!p0 v18, $0x2  }
0x85: {  	v17 =	vlaneseq.u32 @!p0;
	v15 =	vand.u32 @!p0 $0xFFFFFFE0, v15  }
0x86: {  	_ =	swait.ge [sflag:s5], $0x2000;
	v16 =	vand.u32 @!p0 $0x7, v17;
	v19 =	vor.u32 @!p0 v14, v15;
	v15 =	vshrl.u32 @!p0 v17, $0x3  }
0x87: {  	[sflag:s5] =	ssyncset.done $0x0;
	v20 =	vperm.xlane @!p0 v19, v16;
	v15 =	vmul.u32 @!p0 $0x8, v15  }
0x88: {  	[sflag:s5] =	ssyncadd.s32 $0xFFFFE000;
	s3 =	simm.s32 @!p0 $0x9  }
0x89: {  	[hbm4b:s0+s4] =	stream.linear.scatter [tilespmem:s10], [sflag:$0x9], $0x2000, $0x38;
	v20 =	vadd.s32 @!p0 v15, v20;
	[tilespmem:$0x10480] =	vst v63  }
0x8a: {  	_ =	swait.ge @!p0 [sflag:s3], $0x2000;
	v17 =	vor.u32 @!p0 $0x8, v17  }
0x8b: {  	[sflag:s3] =	ssyncset.done @!p0 $0x0;
	v19 =	vperm.xlane @!p0 v19, v17  }
0x8c: {  	[sflag:s3] =	ssyncadd.s32 @!p0 $0xFFFFE000  }
0x8d: {  	vm1 =	vmmov @!p0 $0xffff;
	s12 =	simm.s32 @!p0 $0x80;
	s3 =	simm.s32 @!p0 $0x0;
	[tilespmem:$0x10080] =	vst @!p0 v18;
	v18 =	vadd.s32 @!p0 v15, v19  }
0x8e: {  	[tilespmem:s12], [sflag:$0x1] =	stream.indirect_vreg.gather @!p0 [hbm4b:s1+s3], $0x80, v20, vm1, $0xb8;
	[tilespmem:$0x10480] =	vst v63  }
0x8f: {  	s12 =	simm.s32 @!p0 $0x880  }
0x90: {  	[tilespmem:s12], [sflag:$0x1] =	stream.indirect_vreg.gather @!p0 [hbm4b:s6+s3], $0x80, v20, vm1, $0xb8;
	[tilespmem:$0x10480] =	vst v63  }
0x91: {  	s12 =	simm.s32 @!p0 $0x1080  }
0x92: {  	[tilespmem:s12], [sflag:$0x1] =	stream.indirect_vreg.gather @!p0 [hbm4b:s1+s3], $0x80, v18, vm1, $0xb8;
	[tilespmem:$0x10480] =	vst v63  }
0x93: {  	s12 =	sadd.s32 @!p0 $0xFFFFFFA0, s2  }
0x94: {  	v19 =	vadd.s32 @!p0 s12, v13;
	s12 =	simm.s32 @!p0 $0x1880  }
0x95: {  	[tilespmem:s12], [sflag:$0x1] =	stream.indirect_vreg.gather @!p0 [hbm4b:s6+s3], $0x80, v18, vm1, $0xb8;
	v18 =	vshll.u32 @!p0 v19, $0x2;
	[tilespmem:$0x10480] =	vst v63  }
0x96: {  	_ =	swait.ge [sflag:s21], $0x2000;
	v18 =	vand.u32 @!p0 $0xFFFFFFE0, v18  }
0x97: {  	[sflag:s21] =	ssyncset.done $0x0;
	v18 =	vor.u32 @!p0 v14, v18  }
0x98: {  	s12 =	sadd.s32 $0x400, s0;
	[sflag:s21] =	ssyncadd.s32 $0xFFFFE000;
	v20 =	vperm.xlane @!p0 v18, v16  }
0x99: {  	[hbm4b:s12+s4] =	stream.linear.scatter [tilespmem:s14], [sflag:$0xA], $0x2000, $0x38;
	[tilespmem:$0x10480] =	vst v63  }
0x9a: {  	s12 =	simm.s32 @!p0 $0xA;
	v20 =	vadd.s32 @!p0 v15, v20  }
0x9b: {  	_ =	swait.ge @!p0 [sflag:s12], $0x2000  }
0x9c: {  	v18 =	vperm.xlane @!p0 v18, v17;
	[sflag:s12] =	ssyncset.done @!p0 $0x0  }
0x9d: {  	[sflag:s12] =	ssyncadd.s32 @!p0 $0xFFFFE000  }
0x9e: {  	v18 =	vadd.s32 @!p0 v15, v18;
	s12 =	simm.s32 @!p0 $0x2080;
	[tilespmem:$0x10100] =	vst @!p0 v19  }
0x9f: {  	[tilespmem:s12], [sflag:$0x2] =	stream.indirect_vreg.gather @!p0 [hbm4b:s1+s3], $0x80, v20, vm1, $0xb8;
	[tilespmem:$0x10480] =	vst v63  }
0xa0: {  	s12 =	simm.s32 @!p0 $0x2880  }
0xa1: {  	[tilespmem:s12], [sflag:$0x2] =	stream.indirect_vreg.gather @!p0 [hbm4b:s6+s3], $0x80, v20, vm1, $0xb8;
	[tilespmem:$0x10480] =	vst v63  }
0xa2: {  	s12 =	simm.s32 @!p0 $0x3080  }
0xa3: {  	[tilespmem:s12], [sflag:$0x2] =	stream.indirect_vreg.gather @!p0 [hbm4b:s1+s3], $0x80, v18, vm1, $0xb8;
	[tilespmem:$0x10480] =	vst v63  }
0xa4: {  	s12 =	sadd.s32 @!p0 $0xFFFFFFB0, s2  }
0xa5: {  	v19 =	vadd.s32 @!p0 s12, v13;
	s12 =	simm.s32 @!p0 $0x3880  }
0xa6: {  	[tilespmem:s12], [sflag:$0x2] =	stream.indirect_vreg.gather @!p0 [hbm4b:s6+s3], $0x80, v18, vm1, $0xb8;
	v18 =	vshll.u32 @!p0 v19, $0x2;
	[tilespmem:$0x10480] =	vst v63  }
0xa7: {  	_ =	swait.ge [sflag:s23], $0x2000;
	v18 =	vand.u32 @!p0 $0xFFFFFFE0, v18  }
0xa8: {  	[sflag:s23] =	ssyncset.done $0x0;
	v18 =	vor.u32 @!p0 v14, v18  }
0xa9: {  	s12 =	sadd.s32 $0x800, s0;
	[sflag:s23] =	ssyncadd.s32 $0xFFFFE000;
	v20 =	vperm.xlane @!p0 v18, v16  }
0xaa: {  	[hbm4b:s12+s4] =	stream.linear.scatter [tilespmem:s18], [sflag:$0xB], $0x2000, $0x38;
	[tilespmem:$0x10480] =	vst v63  }
0xab: {  	s12 =	simm.s32 @!p0 $0xB;
	v20 =	vadd.s32 @!p0 v15, v20  }
0xac: {  	_ =	swait.ge @!p0 [sflag:s12], $0x2000  }
0xad: {  	v18 =	vperm.xlane @!p0 v18, v17;
	[sflag:s12] =	ssyncset.done @!p0 $0x0  }
0xae: {  	[sflag:s12] =	ssyncadd.s32 @!p0 $0xFFFFE000  }
0xaf: {  	v18 =	vadd.s32 @!p0 v15, v18;
	s12 =	simm.s32 @!p0 $0x4080;
	[tilespmem:$0x10180] =	vst @!p0 v19  }
0xb0: {  	[tilespmem:s12], [sflag:$0x3] =	stream.indirect_vreg.gather @!p0 [hbm4b:s1+s3], $0x80, v20, vm1, $0xb8;
	[tilespmem:$0x10480] =	vst v63  }
0xb1: {  	s12 =	simm.s32 @!p0 $0x4880  }
0xb2: {  	[tilespmem:s12], [sflag:$0x3] =	stream.indirect_vreg.gather @!p0 [hbm4b:s6+s3], $0x80, v20, vm1, $0xb8;
	[tilespmem:$0x10480] =	vst v63  }
0xb3: {  	s12 =	simm.s32 @!p0 $0x5080  }
0xb4: {  	[tilespmem:s12], [sflag:$0x3] =	stream.indirect_vreg.gather @!p0 [hbm4b:s1+s3], $0x80, v18, vm1, $0xb8;
	[tilespmem:$0x10480] =	vst v63  }
0xb5: {  	s12 =	sadd.s32 @!p0 $0xFFFFFFC0, s2  }
0xb6: {  	v19 =	vadd.s32 @!p0 s12, v13;
	s12 =	simm.s32 @!p0 $0x5880  }
0xb7: {  	[tilespmem:s12], [sflag:$0x3] =	stream.indirect_vreg.gather @!p0 [hbm4b:s6+s3], $0x80, v18, vm1, $0xb8;
	v18 =	vshll.u32 @!p0 v19, $0x2;
	[tilespmem:$0x10480] =	vst v63  }
0xb8: {  	_ =	swait.ge [sflag:s24], $0x2000;
	v18 =	vand.u32 @!p0 $0xFFFFFFE0, v18  }
0xb9: {  	[sflag:s24] =	ssyncset.done $0x0;
	v18 =	vor.u32 @!p0 v14, v18  }
0xba: {  	s12 =	sadd.s32 $0xC00, s0;
	[sflag:s24] =	ssyncadd.s32 $0xFFFFE000;
	v20 =	vperm.xlane @!p0 v18, v16  }
0xbb: {  	[hbm4b:s12+s4] =	stream.linear.scatter [tilespmem:s22], [sflag:$0xC], $0x2000, $0x38;
	[tilespmem:$0x10480] =	vst v63  }
0xbc: {  	s12 =	simm.s32 @!p0 $0xC;
	v20 =	vadd.s32 @!p0 v15, v20  }
0xbd: {  	_ =	swait.ge @!p0 [sflag:s12], $0x2000  }
0xbe: {  	v18 =	vperm.xlane @!p0 v18, v17;
	[sflag:s12] =	ssyncset.done @!p0 $0x0  }
0xbf: {  	[sflag:s12] =	ssyncadd.s32 @!p0 $0xFFFFE000  }
0xc0: {  	v18 =	vadd.s32 @!p0 v15, v18;
	s12 =	simm.s32 @!p0 $0x6080;
	[tilespmem:$0x10200] =	vst @!p0 v19  }
0xc1: {  	[tilespmem:s12], [sflag:$0x4] =	stream.indirect_vreg.gather @!p0 [hbm4b:s1+s3], $0x80, v20, vm1, $0xb8;
	[tilespmem:$0x10480] =	vst v63  }
0xc2: {  	s12 =	simm.s32 @!p0 $0x6880  }
0xc3: {  	[tilespmem:s12], [sflag:$0x4] =	stream.indirect_vreg.gather @!p0 [hbm4b:s6+s3], $0x80, v20, vm1, $0xb8;
	[tilespmem:$0x10480] =	vst v63  }
0xc4: {  	s12 =	simm.s32 @!p0 $0x7080  }
0xc5: {  	[tilespmem:s12], [sflag:$0x4] =	stream.indirect_vreg.gather @!p0 [hbm4b:s1+s3], $0x80, v18, vm1, $0xb8;
	[tilespmem:$0x10480] =	vst v63  }
0xc6: {  	s12 =	sadd.s32 @!p0 $0xFFFFFFD0, s2  }
0xc7: {  	v19 =	vadd.s32 @!p0 s12, v13;
	s12 =	simm.s32 @!p0 $0x7880  }
0xc8: {  	[tilespmem:s12], [sflag:$0x4] =	stream.indirect_vreg.gather @!p0 [hbm4b:s6+s3], $0x80, v18, vm1, $0xb8;
	v18 =	vshll.u32 @!p0 v19, $0x2;
	[tilespmem:$0x10480] =	vst v63  }
0xc9: {  	_ =	swait.ge [sflag:s25], $0x2000;
	v18 =	vand.u32 @!p0 $0xFFFFFFE0, v18  }
0xca: {  	[sflag:s25] =	ssyncset.done $0x0;
	v18 =	vor.u32 @!p0 v14, v18  }
0xcb: {  	s12 =	sadd.s32 $0x1000, s0;
	[sflag:s25] =	ssyncadd.s32 $0xFFFFE000;
	v20 =	vperm.xlane @!p0 v18, v16  }
0xcc: {  	[hbm4b:s12+s4] =	stream.linear.scatter [tilespmem:s26], [sflag:$0xD], $0x2000, $0x38;
	[tilespmem:$0x10480] =	vst v63  }
0xcd: {  	s12 =	simm.s32 @!p0 $0xD;
	v20 =	vadd.s32 @!p0 v15, v20  }
0xce: {  	_ =	swait.ge @!p0 [sflag:s12], $0x2000  }
0xcf: {  	v18 =	vperm.xlane @!p0 v18, v17;
	[sflag:s12] =	ssyncset.done @!p0 $0x0  }
0xd0: {  	[sflag:s12] =	ssyncadd.s32 @!p0 $0xFFFFE000  }
0xd1: {  	v18 =	vadd.s32 @!p0 v15, v18;
	s12 =	simm.s32 @!p0 $0x8080;
	[tilespmem:$0x10280] =	vst @!p0 v19  }
0xd2: {  	[tilespmem:s12], [sflag:$0x5] =	stream.indirect_vreg.gather @!p0 [hbm4b:s1+s3], $0x80, v20, vm1, $0xb8;
	[tilespmem:$0x10480] =	vst v63  }
0xd3: {  	s12 =	simm.s32 @!p0 $0x8880  }
0xd4: {  	[tilespmem:s12], [sflag:$0x5] =	stream.indirect_vreg.gather @!p0 [hbm4b:s6+s3], $0x80, v20, vm1, $0xb8;
	[tilespmem:$0x10480] =	vst v63  }
0xd5: {  	s12 =	simm.s32 @!p0 $0x9080  }
0xd6: {  	[tilespmem:s12], [sflag:$0x5] =	stream.indirect_vreg.gather @!p0 [hbm4b:s1+s3], $0x80, v18, vm1, $0xb8;
	[tilespmem:$0x10480] =	vst v63  }
0xd7: {  	s12 =	sadd.s32 @!p0 $0xFFFFFFE0, s2  }
0xd8: {  	v19 =	vadd.s32 @!p0 s12, v13;
	s12 =	simm.s32 @!p0 $0x9880  }
0xd9: {  	[tilespmem:s12], [sflag:$0x5] =	stream.indirect_vreg.gather @!p0 [hbm4b:s6+s3], $0x80, v18, vm1, $0xb8;
	v18 =	vshll.u32 @!p0 v19, $0x2;
	[tilespmem:$0x10480] =	vst v63  }
0xda: {  	_ =	swait.ge [sflag:s28], $0x2000;
	v18 =	vand.u32 @!p0 $0xFFFFFFE0, v18  }
0xdb: {  	[sflag:s28] =	ssyncset.done $0x0;
	v18 =	vor.u32 @!p0 v14, v18  }
0xdc: {  	s12 =	sadd.s32 $0x1400, s0;
	[sflag:s28] =	ssyncadd.s32 $0xFFFFE000;
	v20 =	vperm.xlane @!p0 v18, v16  }
0xdd: {  	[hbm4b:s12+s4] =	stream.linear.scatter [tilespmem:s31], [sflag:$0xE], $0x2000, $0x38;
	[tilespmem:$0x10480] =	vst v63  }
0xde: {  	s12 =	simm.s32 @!p0 $0xE;
	v20 =	vadd.s32 @!p0 v15, v20  }
0xdf: {  	_ =	swait.ge @!p0 [sflag:s12], $0x2000  }
0xe0: {  	v18 =	vperm.xlane @!p0 v18, v17;
	[sflag:s12] =	ssyncset.done @!p0 $0x0  }
0xe1: {  	[sflag:s12] =	ssyncadd.s32 @!p0 $0xFFFFE000  }
0xe2: {  	v18 =	vadd.s32 @!p0 v15, v18;
	s12 =	simm.s32 @!p0 $0xA080;
	[tilespmem:$0x10300] =	vst @!p0 v19  }
0xe3: {  	[tilespmem:s12], [sflag:$0x6] =	stream.indirect_vreg.gather @!p0 [hbm4b:s1+s3], $0x80, v20, vm1, $0xb8;
	[tilespmem:$0x10480] =	vst v63  }
0xe4: {  	s12 =	simm.s32 @!p0 $0xA880  }
0xe5: {  	[tilespmem:s12], [sflag:$0x6] =	stream.indirect_vreg.gather @!p0 [hbm4b:s6+s3], $0x80, v20, vm1, $0xb8;
	[tilespmem:$0x10480] =	vst v63  }
0xe6: {  	s12 =	simm.s32 @!p0 $0xB080  }
0xe7: {  	[tilespmem:s12], [sflag:$0x6] =	stream.indirect_vreg.gather @!p0 [hbm4b:s1+s3], $0x80, v18, vm1, $0xb8;
	[tilespmem:$0x10480] =	vst v63  }
0xe8: {  	s12 =	sadd.s32 @!p0 $0xFFFFFFF0, s2  }
0xe9: {  	v19 =	vadd.s32 @!p0 s12, v13;
	s12 =	simm.s32 @!p0 $0xB880  }
0xea: {  	[tilespmem:s12], [sflag:$0x6] =	stream.indirect_vreg.gather @!p0 [hbm4b:s6+s3], $0x80, v18, vm1, $0xb8;
	v18 =	vshll.u32 @!p0 v19, $0x2;
	[tilespmem:$0x10480] =	vst v63  }
0xeb: {  	_ =	swait.ge [sflag:s29], $0x2000;
	v18 =	vand.u32 @!p0 $0xFFFFFFE0, v18  }
0xec: {  	[sflag:s29] =	ssyncset.done $0x0;
	v18 =	vor.u32 @!p0 v14, v18  }
0xed: {  	s12 =	sadd.s32 $0x1800, s0;
	[sflag:s29] =	ssyncadd.s32 $0xFFFFE000;
	v16 =	vperm.xlane @!p0 v18, v16  }
0xee: {  	[hbm4b:s12+s4] =	stream.linear.scatter [tilespmem:s11], [sflag:$0xF], $0x2000, $0x38;
	[tilespmem:$0x10480] =	vst v63  }
0xef: {  	s12 =	simm.s32 @!p0 $0xF;
	v16 =	vadd.s32 @!p0 v15, v16  }
0xf0: {  	_ =	swait.ge @!p0 [sflag:s12], $0x2000  }
0xf1: {  	v17 =	vperm.xlane @!p0 v18, v17;
	[sflag:s12] =	ssyncset.done @!p0 $0x0  }
0xf2: {  	[sflag:s12] =	ssyncadd.s32 @!p0 $0xFFFFE000  }
0xf3: {  	v15 =	vadd.s32 @!p0 v15, v17;
	s12 =	simm.s32 @!p0 $0xC080;
	[tilespmem:$0x10380] =	vst @!p0 v19  }
0xf4: {  	[tilespmem:s12], [sflag:$0x7] =	stream.indirect_vreg.gather @!p0 [hbm4b:s1+s3], $0x80, v16, vm1, $0xb8;
	[tilespmem:$0x10480] =	vst v63  }
0xf5: {  	s12 =	simm.s32 @!p0 $0xC880  }
0xf6: {  	[tilespmem:s12], [sflag:$0x7] =	stream.indirect_vreg.gather @!p0 [hbm4b:s6+s3], $0x80, v16, vm1, $0xb8;
	[tilespmem:$0x10480] =	vst v63  }
0xf7: {  	s12 =	simm.s32 @!p0 $0xD080  }
0xf8: {  	[tilespmem:s12], [sflag:$0x7] =	stream.indirect_vreg.gather @!p0 [hbm4b:s1+s3], $0x80, v15, vm1, $0xb8;
	[tilespmem:$0x10480] =	vst v63  }
0xf9: {  	s12 =	simm.s32 @!p0 $0xD880  }
0xfa: {  	[tilespmem:s12], [sflag:$0x7] =	stream.indirect_vreg.gather @!p0 [hbm4b:s6+s3], $0x80, v15, vm1, $0xb8;
	[tilespmem:$0x10480] =	vst v63  }
.Ltmp2:
0xfb: {  	_ = 	snop;
	(pc) =	sbr.rel @p0 .LBB2_4-.Ltmp2, $4  }
0xfc: {  	_ =	swait.ge [sflag:s30], $0x2000  }
0xfd: {  	[sflag:s30] =	ssyncset.done $0x0  }
0xfe: {  	s12 =	sadd.s32 $0x1C00, s0;
	[sflag:s30] =	ssyncadd.s32 $0xFFFFE000  }
0xff: {  	[hbm4b:s12+s4] =	stream.linear.scatter [tilespmem:s16], [sflag:$0x10], $0x2000, $0x38;
	[tilespmem:$0x10480] =	vst v63  }
0x100: {  	v15 =	vadd.s32 s2, v13  }
0x101: {  	v16 =	vshll.u32 v15, $0x2  }
0x102: {  	v16 =	vand.u32 $0xFFFFFFE0, v16  }
0x103: {  	v16 =	vor.u32 v14, v16  }
0x104: {  	v17 =	vperm.xlane v16, v3;
	_ =	sdelay $0x1  }
0x105: {  	v17 =	vadd.s32 v4, v17  }
0x106: {  	_ =	swait.ge [sflag:s8], $0x2000  }
0x107: {  	[sflag:s8] =	ssyncset.done $0x0  }
0x108: {  	[sflag:s8] =	ssyncadd.s32 $0xFFFFE000;
	v16 =	vperm.xlane v16, v5  }
0x109: {  	[tilespmem:$0x10400] =	vst v15  }
0x10a: {  	v15 =	vadd.s32 v4, v16;
	[tilespmem:s16], [sflag:$0x8] =	stream.indirect_vreg.gather [hbm4b:s1+s4], $0x80, v17, vm0, $0xb8;
	[tilespmem:$0x10480] =	vst v63  }
0x10b: {  	_ = 	snop  }
0x10c: {  	[tilespmem:s17], [sflag:$0x8] =	stream.indirect_vreg.gather [hbm4b:s6+s4], $0x80, v17, vm0, $0xb8;
	[tilespmem:$0x10480] =	vst v63  }
.Ltmp3:
0x10d: {  	_ = 	snop;
	(pc) =	sbr.rel .LBB2_2-.Ltmp3, $4  }
0x10e: {  	_ = 	snop  }
0x10f: {  	[tilespmem:s19], [sflag:$0x8] =	stream.indirect_vreg.gather [hbm4b:s1+s4], $0x80, v15, vm0, $0xb8;
	[tilespmem:$0x10480] =	vst v63  }
0x110: {  	s0 =	sadd.s32 $0x2000, s0;
	s2 =	sadd.s32 $0x80, s2  }
0x111: {  	[tilespmem:s20], [sflag:$0x8] =	stream.indirect_vreg.gather [hbm4b:s6+s4], $0x80, v15, vm0, $0xb8;
	[tilespmem:$0x10480] =	vst v63  }
.LBB2_5:
0x112: {  	_ =	sfence.sel $0x180000  }
0x113: {  	[bflag:$0x0] =	sbarrier.arrive $0xFFFF  }
0x114: {  	_ =	strace $0x90000047  }
0x115: {  	s0 =	stileid.u32;
	[bflag:$0x2] =	sbarrier.arrive $0xFFFF  }
0x116: {  	p0 =	sne.s32 s0, $0x0;
	s0 =	rddreg [dreg:$0x3]  }
0x117: {  	s0 =	sadd.s32 @!p0 $0x100000, s0  }
0x118: {  	[sflag:s0] =	ssyncadd.tile.s32 @!p0 $0x1;
	_ =	shalt  }
.Lfunc_end2:
_tile_overlayer_lowered:
.L_overlay_start_2:
0x119: {  	(tag) =	ssettag $0x2  }
0x11a: {  	s0 =	rddreg [dreg:$0x0];
	s2 =	stileid.u32  }
0x11b: {  	s1 =	rddreg [dreg:$0x1];
	p0 =	sne.s32 s2, $0x0  }
0x11c: {  	s3 =	rddreg [dreg:$0x2];
	[bflag:$0x3] =	sbarrier.arrive $0xFFFF;
	s2 =	simm.s32 @!p0 $0x1C11  }
0x11d: {  	[timem:s3], [sflag:s2] =	dma.local @!p0 [hbm:s0], s1  }
0x11e: {  	s0 =	simm.s32 @!p0 $0x11  }
0x11f: {  	_ =	swait.ge @!p0 [sflag:s0], s1  }
0x120: {  	s1 =	ssub.s32 @!p0 $0x0, s1;
	[sflag:s0] =	ssyncset.done @!p0 $0x0  }
0x121: {  	[sflag:s0] =	ssyncadd.s32 @!p0 s1  }
0x122: {  	[bflag:$0x3] =	sbarrier.arrive $0xFFFF  }
0x123: {  	_ =	shalt  }

</sc_bundles>
